<compile_context>
chip_gen: v7x
topology: tpu7x:2x2x1
jax: 0.10.2.dev20260603
libtpu: 0.0.44.dev20260713+nightly
codegen_flags: <defaults>
</compile_context>

<pallas_src>
import jax
import jax.numpy as jnp
from jax import lax
from jax.experimental import pallas as pl
from jax.experimental.pallas import tpu as pltpu
from jax.experimental.pallas import tpu_sc as plsc

N = 10000
D = 128
E = 320000
NC = 2
NS = 16
NW = NC * NS
CH = 128
NCH = 80
EPW = NCH * CH
E_PAD = NW * EPW

NA = 9712
NA_ACC = NA + 8
CPT = 600
NB = N - NA
NB_ACC = NB + 8

ROWS_BLK = 1000
GRID = N // ROWS_BLK


def _zero_buf(buf, rows):
    def zrow(i, carry):
        for c in range(D // 16):
            buf[i, pl.ds(c * 16, 16)] = jnp.zeros((16,), jnp.float32)
        return carry

    lax.fori_loop(0, rows, zrow, 0)


def _agg_a_body(x_hbm, srcs, dsts, parts,
                src_v, dst_v, rows_a, rows_b, sem_a, sem_b, agg_sh):
    cid = lax.axis_index("c")
    sid = lax.axis_index("s")
    wid = cid * NS + sid

    pltpu.sync_copy(srcs.at[wid], src_v)
    pltpu.sync_copy(dsts.at[wid], dst_v)

    def remap(r, carry):
        for c in range(CH // 16):
            v = dst_v[r, pl.ds(c * 16, 16)]
            dmp = NA + (v & 7)
            dst_v[r, pl.ds(c * 16, 16)] = jnp.where(v < NA, v, dmp)
        return carry

    lax.fori_loop(0, NCH, remap, 0)

    _zero_buf(rows_a, CH)
    z0 = sid * 607
    for p in range(5):
        cnt = 128 if p < 4 else 607 - 4 * 128
        pltpu.sync_copy(rows_a.at[pl.ds(0, cnt)],
                        agg_sh.at[pl.ds(z0 + p * 128, cnt)])

    @pl.when(sid == NS - 1)
    def _():
        t0 = NS * 607
        pltpu.sync_copy(rows_a.at[pl.ds(0, NA_ACC - t0)],
                        agg_sh.at[pl.ds(t0, NA_ACC - t0)])

    plsc.subcore_barrier()

    def gather_start(j, buf, sem):
        pltpu.async_copy(x_hbm.at[src_v.at[j]], buf, sem)

    def gather_wait(j, buf, sem):
        pltpu.make_async_copy(x_hbm.at[src_v.at[j]], buf, sem).wait()

    def scatter_add(j, buf):
        pltpu.sync_copy(buf, agg_sh.at[dst_v.at[j]], add=True)

    gather_start(0, rows_a, sem_a)
    gather_start(1, rows_b, sem_b)

    def body(i, carry):
        g = 2 * i
        gather_wait(g, rows_a, sem_a)
        scatter_add(g, rows_a)

        @pl.when(g + 2 < NCH)
        def _():
            gather_start(g + 2, rows_a, sem_a)

        gather_wait(g + 1, rows_b, sem_b)
        scatter_add(g + 1, rows_b)

        @pl.when(g + 3 < NCH)
        def _():
            gather_start(g + 3, rows_b, sem_b)

        return carry

    lax.fori_loop(0, NCH // 2, body, 0)

    plsc.subcore_barrier()

    out0 = pl.multiple_of(sid * CPT, 8)
    pltpu.sync_copy(agg_sh.at[pl.ds(out0, CPT)],
                    parts.at[cid, pl.ds(out0, CPT)])

    @pl.when(sid == NS - 1)
    def _():
        tail = NS * CPT
        pltpu.sync_copy(agg_sh.at[pl.ds(tail, NA - tail)],
                        parts.at[cid, pl.ds(tail, NA - tail)])

    pltpu.sync_copy(dsts.at[wid], dst_v)

    def remap2(r, carry):
        for c in range(CH // 16):
            v = dst_v[r, pl.ds(c * 16, 16)]
            m = jnp.logical_and(v >= NA, v < N)
            dst_v[r, pl.ds(c * 16, 16)] = jnp.where(
                m, v - NA, NB + 8 + (v & 4095))
        return carry

    lax.fori_loop(0, NCH, remap2, 0)
    plsc.subcore_barrier()

    @pl.when(sid == 0)
    def _():
        _zero_buf(rows_a, CH)
        for p, cnt_p in ((0, 128), (1, 128), (2, NB_ACC - 256)):
            pltpu.sync_copy(rows_a.at[pl.ds(0, cnt_p)],
                            agg_sh.at[pl.ds(p * 128, cnt_p)])

    plsc.subcore_barrier()

    gather_start(0, rows_a, sem_a)
    gather_start(1, rows_b, sem_b)
    lax.fori_loop(0, NCH // 2, body, 0)

    plsc.subcore_barrier()

    @pl.when(sid == 0)
    def _():
        pltpu.sync_copy(agg_sh.at[pl.ds(0, NB)],
                        parts.at[cid, pl.ds(NA, NB)])


def _mlp_body(pa_ref, pb_ref, x_ref, w1_ref, b1_ref, w2_ref, b2_ref, o_ref):
    t = pa_ref[0] + pb_ref[0] + x_ref[...]
    h = jnp.dot(t, w1_ref[...], preferred_element_type=jnp.float32)
    h = jnp.maximum(h + b1_ref[...], 0.0)
    o_ref[...] = (jnp.dot(h, w2_ref[...], preferred_element_type=jnp.float32)
                  + b2_ref[...])


def kernel(x, edge_index, W1, b1, W2, b2):
    src = edge_index[0].astype(jnp.int32)
    dst = edge_index[1].astype(jnp.int32)
    npad = E_PAD - E
    pad_pos = jnp.arange(npad, dtype=jnp.int32)
    src_p = jnp.concatenate([src, pad_pos & 4095]).reshape(NW, NCH, CH)
    dst_p = jnp.concatenate([dst, jnp.full((npad,), N, jnp.int32)]
                            ).reshape(NW, NCH, CH)

    mesh = plsc.VectorSubcoreMesh(core_axis_name="c", subcore_axis_name="s")
    parts = pl.kernel(
        _agg_a_body,
        out_type=jax.ShapeDtypeStruct((NC, N, D), jnp.float32),
        mesh=mesh,
        scratch_types=[
            pltpu.VMEM((NCH, CH), jnp.int32),
            pltpu.VMEM((NCH, CH), jnp.int32),
            pltpu.VMEM((CH, D), jnp.float32),
            pltpu.VMEM((CH, D), jnp.float32),
            pltpu.SemaphoreType.DMA,
            pltpu.SemaphoreType.DMA,
            pltpu.VMEM_SHARED((NA_ACC, D), jnp.float32),
        ],
    )(x, src_p, dst_p)

    return pl.pallas_call(
        _mlp_body,
        grid=(GRID,),
        in_specs=[
            pl.BlockSpec((1, ROWS_BLK, D), lambda i: (0, i, 0)),
            pl.BlockSpec((1, ROWS_BLK, D), lambda i: (1, i, 0)),
            pl.BlockSpec((ROWS_BLK, D), lambda i: (i, 0)),
            pl.BlockSpec((D, D), lambda i: (0, 0)),
            pl.BlockSpec((1, D), lambda i: (0, 0)),
            pl.BlockSpec((D, D), lambda i: (0, 0)),
            pl.BlockSpec((1, D), lambda i: (0, 0)),
        ],
        out_specs=pl.BlockSpec((ROWS_BLK, D), lambda i: (i, 0)),
        out_shape=jax.ShapeDtypeStruct((N, D), jnp.float32),
    )(parts, parts, x, W1, b1.reshape(1, D), W2, b2.reshape(1, D))

# --- scband reference (transcript-rebuilt; emitter-appended) ---
"""Pipeline reference for scband-patched-ginconv-66340064854630 (READ-ONLY COPY).

The authoritative reference and input builder live on the scoring server;
editing this copy changes nothing except your own understanding.
"""

import jax, jax.numpy as jnp
import numpy as np

EPS = 0.0
N_NODES = 10000
N_EDGES = 320000
D = 128


def setup_inputs(seed: int = 0) -> dict:
    key = jax.random.key(seed)
    k_x, k_e, k_w1, k_b1, k_w2, k_b2 = jax.random.split(key, 6)
    x = jax.random.normal(k_x, (N_NODES, D), dtype=jnp.float32)
    edge_index = jax.random.randint(k_e, (2, N_EDGES), 0, N_NODES, dtype=jnp.int64)
    # GIN MLP params: Linear(D, D) -> ReLU -> Linear(D, D)
    W1 = jax.random.normal(k_w1, (D, D), dtype=jnp.float32) * (1.0 / np.sqrt(D))
    b1 = jnp.zeros((D,), dtype=jnp.float32)
    W2 = jax.random.normal(k_w2, (D, D), dtype=jnp.float32) * (1.0 / np.sqrt(D))
    b2 = jnp.zeros((D,), dtype=jnp.float32)
    return {"x": x, "edge_index": edge_index, "W1": W1, "b1": b1, "W2": W2, "b2": b2}


def reference(x, edge_index, W1, b1, W2, b2):
    src = edge_index[0]
    dst = edge_index[1]
    # scatter-add of gathered source features into destination rows
    agg = jnp.zeros_like(x).at[dst].add(jnp.take(x, src, axis=0))
    out = agg + (1.0 + EPS) * x
    # MLP: Linear -> ReLU -> Linear
    h = jax.nn.relu(out @ W1 + b1)
    return h @ W2 + b2

if __name__ == "__main__":
    import jax
    _d = setup_inputs()
    print(jax.jit(kernel)(*tuple(_d.values())))

</pallas_src>

<mosaic_0001>
#map = affine_map<(d0, d1) -> (0, 0)>
#map1 = affine_map<(d0, d1) -> (0, 0, 0)>
module attributes {stable_mosaic.version = 14 : i64} {
  func.func @_agg_a_body(%arg0: i32, %arg1: i32, %arg2: memref<10000x128xf32, #tpu.memory_space<hbm>>, %arg3: memref<32x80x128xi32, #tpu.memory_space<hbm>>, %arg4: memref<32x80x128xi32, #tpu.memory_space<hbm>>, %arg5: memref<2x10000x128xf32, #tpu.memory_space<hbm>>, %arg6: memref<80x128xi32, #tpu.memory_space<vmem>>, %arg7: memref<80x128xi32, #tpu.memory_space<vmem>>, %arg8: memref<128x128xf32, #tpu.memory_space<vmem>>, %arg9: memref<128x128xf32, #tpu.memory_space<vmem>>, %arg10: memref<!tpu.dma_semaphore, #tpu.memory_space<semaphore_mem>>, %arg11: memref<!tpu.dma_semaphore, #tpu.memory_space<semaphore_mem>>, %arg12: memref<9720x128xf32, #tpu.memory_space<vmem_shared>>) attributes {dimension_semantics = [#tpu.dimension_semantics<core_parallel>, #tpu.dimension_semantics<subcore_parallel>], iteration_bounds = array<i64: 2, 16>, scalar_prefetch = 0 : i64, scratch_operands = 7 : i64, tpu.core_type = #tpu.core_type<sc_vector_subcore>, window_params = [{transform_indices = #map}, {transform_indices = #map1}, {transform_indices = #map1}, {transform_indices = #map1}]} {
    %mul3A = arith.constant 16 : i32
    %mul3A_0 = arith.muli %arg0, %mul3A : i32
    %add3A = arith.addi %mul3A_0, %arg1 : i32
    "tpu.region"() ({
      %run_scoped3A = tpu.sem_alloc : memref<!tpu.dma_semaphore, #tpu.memory_space<semaphore_mem>>
      %dma_start3A_92 = arith.constant 0 : i32
      %dma_start3A_93 = arith.constant 0 : i32
      %dma_start3A_94 = tpu.memref_slice %arg3[%add3A, %dma_start3A_92, %dma_start3A_93] : memref<32x80x128xi32, #tpu.memory_space<hbm>> -> memref<1x80x128xi32, #tpu.memory_space<hbm>>
      %dma_start3A_95 = tpu.memref_squeeze %dma_start3A_94 : memref<1x80x128xi32, #tpu.memory_space<hbm>> -> memref<80x128xi32, #tpu.memory_space<hbm>>
      %dma_start3A_96 = arith.constant 0 : i32
      %dma_start3A_97 = arith.constant 0 : i32
      %dma_start3A_98 = tpu.memref_slice %arg3[%add3A, %dma_start3A_96, %dma_start3A_97] : memref<32x80x128xi32, #tpu.memory_space<hbm>> -> memref<1x80x128xi32, #tpu.memory_space<hbm>>
      %dma_start3A_99 = tpu.memref_squeeze %dma_start3A_98 : memref<1x80x128xi32, #tpu.memory_space<hbm>> -> memref<80x128xi32, #tpu.memory_space<hbm>>
      tpu.enqueue_dma source(%dma_start3A_99 : memref<80x128xi32, #tpu.memory_space<hbm>>) target(%arg6 : memref<80x128xi32, #tpu.memory_space<vmem>>) target_semaphore(%run_scoped3A : memref<!tpu.dma_semaphore, #tpu.memory_space<semaphore_mem>>)
      %dma_wait3A = arith.constant 0 : i32
      %dma_wait3A_100 = arith.constant 0 : i32
      %dma_wait3A_101 = tpu.memref_slice %arg3[%add3A, %dma_wait3A, %dma_wait3A_100] : memref<32x80x128xi32, #tpu.memory_space<hbm>> -> memref<1x80x128xi32, #tpu.memory_space<hbm>>
      %dma_wait3A_102 = tpu.memref_squeeze %dma_wait3A_101 : memref<1x80x128xi32, #tpu.memory_space<hbm>> -> memref<80x128xi32, #tpu.memory_space<hbm>>
      %dma_wait3A_103 = arith.constant 0 : i32
      %dma_wait3A_104 = arith.constant 0 : i32
      %dma_wait3A_105 = tpu.memref_slice %arg3[%add3A, %dma_wait3A_103, %dma_wait3A_104] : memref<32x80x128xi32, #tpu.memory_space<hbm>> -> memref<1x80x128xi32, #tpu.memory_space<hbm>>
      %dma_wait3A_106 = tpu.memref_squeeze %dma_wait3A_105 : memref<1x80x128xi32, #tpu.memory_space<hbm>> -> memref<80x128xi32, #tpu.memory_space<hbm>>
      tpu.wait_dma2 semaphore(%run_scoped3A : memref<!tpu.dma_semaphore, #tpu.memory_space<semaphore_mem>>) src(%dma_wait3A_106 : memref<80x128xi32, #tpu.memory_space<hbm>>) dst(%arg6 : memref<80x128xi32, #tpu.memory_space<vmem>>)
      tpu.yield
    }) : () -> ()
    "tpu.region"() ({
      %run_scoped3A = tpu.sem_alloc : memref<!tpu.dma_semaphore, #tpu.memory_space<semaphore_mem>>
      %dma_start3A_92 = arith.constant 0 : i32
      %dma_start3A_93 = arith.constant 0 : i32
      %dma_start3A_94 = tpu.memref_slice %arg4[%add3A, %dma_start3A_92, %dma_start3A_93] : memref<32x80x128xi32, #tpu.memory_space<hbm>> -> memref<1x80x128xi32, #tpu.memory_space<hbm>>
      %dma_start3A_95 = tpu.memref_squeeze %dma_start3A_94 : memref<1x80x128xi32, #tpu.memory_space<hbm>> -> memref<80x128xi32, #tpu.memory_space<hbm>>
      %dma_start3A_96 = arith.constant 0 : i32
      %dma_start3A_97 = arith.constant 0 : i32
      %dma_start3A_98 = tpu.memref_slice %arg4[%add3A, %dma_start3A_96, %dma_start3A_97] : memref<32x80x128xi32, #tpu.memory_space<hbm>> -> memref<1x80x128xi32, #tpu.memory_space<hbm>>
      %dma_start3A_99 = tpu.memref_squeeze %dma_start3A_98 : memref<1x80x128xi32, #tpu.memory_space<hbm>> -> memref<80x128xi32, #tpu.memory_space<hbm>>
      tpu.enqueue_dma source(%dma_start3A_99 : memref<80x128xi32, #tpu.memory_space<hbm>>) target(%arg7 : memref<80x128xi32, #tpu.memory_space<vmem>>) target_semaphore(%run_scoped3A : memref<!tpu.dma_semaphore, #tpu.memory_space<semaphore_mem>>)
      %dma_wait3A = arith.constant 0 : i32
      %dma_wait3A_100 = arith.constant 0 : i32
      %dma_wait3A_101 = tpu.memref_slice %arg4[%add3A, %dma_wait3A, %dma_wait3A_100] : memref<32x80x128xi32, #tpu.memory_space<hbm>> -> memref<1x80x128xi32, #tpu.memory_space<hbm>>
      %dma_wait3A_102 = tpu.memref_squeeze %dma_wait3A_101 : memref<1x80x128xi32, #tpu.memory_space<hbm>> -> memref<80x128xi32, #tpu.memory_space<hbm>>
      %dma_wait3A_103 = arith.constant 0 : i32
      %dma_wait3A_104 = arith.constant 0 : i32
      %dma_wait3A_105 = tpu.memref_slice %arg4[%add3A, %dma_wait3A_103, %dma_wait3A_104] : memref<32x80x128xi32, #tpu.memory_space<hbm>> -> memref<1x80x128xi32, #tpu.memory_space<hbm>>
      %dma_wait3A_106 = tpu.memref_squeeze %dma_wait3A_105 : memref<1x80x128xi32, #tpu.memory_space<hbm>> -> memref<80x128xi32, #tpu.memory_space<hbm>>
      tpu.wait_dma2 semaphore(%run_scoped3A : memref<!tpu.dma_semaphore, #tpu.memory_space<semaphore_mem>>) src(%dma_wait3A_106 : memref<80x128xi32, #tpu.memory_space<hbm>>) dst(%arg7 : memref<80x128xi32, #tpu.memory_space<vmem>>)
      tpu.yield
    }) : () -> ()
    %scan3A = arith.constant 0 : i32
    %scan3A_1 = arith.constant 0 : i32
    %scan3A_2 = arith.constant 80 : i32
    %scan3A_3 = arith.addi %scan3A_1, %scan3A_2 : i32
    %scan3A_4 = arith.constant 1 : i32
    scf.for %scan3A_92 = %scan3A_1 to %scan3A_3 step %scan3A_4  : i32 {
      %get3A = arith.index_cast %scan3A_92 : i32 to index
      %get3A_93 = arith.constant 0 : index
      %get3A_94 = tpu.vector_load %arg7[%get3A, %get3A_93] {strides = array<i32>} : memref<80x128xi32, #tpu.memory_space<vmem>>, vector<1x16xi32>,
      %get3A_95 = vector.shape_cast %get3A_94 : vector<1x16xi32> to vector<16xi32>
      %and3A = arith.constant 7 : i32
      %and3A_96 = vector.broadcast %and3A : i32 to vector<16xi32>
      %and3A_97 = arith.andi %get3A_95, %and3A_96 : vector<16xi32>
      %add3A_98 = arith.constant 9712 : i32
      %add3A_99 = vector.broadcast %add3A_98 : i32 to vector<16xi32>
      %add3A_100 = arith.addi %add3A_99, %and3A_97 : vector<16xi32>
      %lt3A = arith.constant 9712 : i32
      %lt3A_101 = vector.broadcast %lt3A : i32 to vector<16xi32>
      %lt3A_102 = arith.cmpi slt, %get3A_95, %lt3A_101 : vector<16xi32>
      %select_n3A = arith.select %lt3A_102, %get3A_95, %add3A_100 : vector<16xi1>, vector<16xi32>
      %swap3A = arith.index_cast %scan3A_92 : i32 to index
      %swap3A_103 = arith.constant 0 : index
      %swap3A_104 = tpu.vector_load %arg7[%swap3A, %swap3A_103] {strides = array<i32>} : memref<80x128xi32, #tpu.memory_space<vmem>>, vector<1x16xi32>,
      %swap3A_105 = vector.shape_cast %swap3A_104 : vector<1x16xi32> to vector<16xi32>
      %swap3A_106 = vector.shape_cast %select_n3A : vector<16xi32> to vector<1x16xi32>
      tpu.vector_store %arg7[%swap3A, %swap3A_103], %swap3A_106 {strides = array<i32>} : memref<80x128xi32, #tpu.memory_space<vmem>>, vector<1x16xi32>,
      %get3A_107 = arith.index_cast %scan3A_92 : i32 to index
      %get3A_108 = arith.constant 16 : index
      %get3A_109 = tpu.vector_load %arg7[%get3A_107, %get3A_108] {strides = array<i32>} : memref<80x128xi32, #tpu.memory_space<vmem>>, vector<1x16xi32>,
      %get3A_110 = vector.shape_cast %get3A_109 : vector<1x16xi32> to vector<16xi32>
      %and3A_111 = arith.constant 7 : i32
      %and3A_112 = vector.broadcast %and3A_111 : i32 to vector<16xi32>
      %and3A_113 = arith.andi %get3A_110, %and3A_112 : vector<16xi32>
      %add3A_114 = arith.constant 9712 : i32
      %add3A_115 = vector.broadcast %add3A_114 : i32 to vector<16xi32>
      %add3A_116 = arith.addi %add3A_115, %and3A_113 : vector<16xi32>
      %lt3A_117 = arith.constant 9712 : i32
      %lt3A_118 = vector.broadcast %lt3A_117 : i32 to vector<16xi32>
      %lt3A_119 = arith.cmpi slt, %get3A_110, %lt3A_118 : vector<16xi32>
      %select_n3A_120 = arith.select %lt3A_119, %get3A_110, %add3A_116 : vector<16xi1>, vector<16xi32>
      %swap3A_121 = arith.index_cast %scan3A_92 : i32 to index
      %swap3A_122 = arith.constant 16 : index
      %swap3A_123 = tpu.vector_load %arg7[%swap3A_121, %swap3A_122] {strides = array<i32>} : memref<80x128xi32, #tpu.memory_space<vmem>>, vector<1x16xi32>,
      %swap3A_124 = vector.shape_cast %swap3A_123 : vector<1x16xi32> to vector<16xi32>
      %swap3A_125 = vector.shape_cast %select_n3A_120 : vector<16xi32> to vector<1x16xi32>
      tpu.vector_store %arg7[%swap3A_121, %swap3A_122], %swap3A_125 {strides = array<i32>} : memref<80x128xi32, #tpu.memory_space<vmem>>, vector<1x16xi32>,
      %get3A_126 = arith.index_cast %scan3A_92 : i32 to index
      %get3A_127 = arith.constant 32 : index
      %get3A_128 = tpu.vector_load %arg7[%get3A_126, %get3A_127] {strides = array<i32>} : memref<80x128xi32, #tpu.memory_space<vmem>>, vector<1x16xi32>,
      %get3A_129 = vector.shape_cast %get3A_128 : vector<1x16xi32> to vector<16xi32>
      %and3A_130 = arith.constant 7 : i32
      %and3A_131 = vector.broadcast %and3A_130 : i32 to vector<16xi32>
      %and3A_132 = arith.andi %get3A_129, %and3A_131 : vector<16xi32>
      %add3A_133 = arith.constant 9712 : i32
      %add3A_134 = vector.broadcast %add3A_133 : i32 to vector<16xi32>
      %add3A_135 = arith.addi %add3A_134, %and3A_132 : vector<16xi32>
      %lt3A_136 = arith.constant 9712 : i32
      %lt3A_137 = vector.broadcast %lt3A_136 : i32 to vector<16xi32>
      %lt3A_138 = arith.cmpi slt, %get3A_129, %lt3A_137 : vector<16xi32>
      %select_n3A_139 = arith.select %lt3A_138, %get3A_129, %add3A_135 : vector<16xi1>, vector<16xi32>
      %swap3A_140 = arith.index_cast %scan3A_92 : i32 to index
      %swap3A_141 = arith.constant 32 : index
      %swap3A_142 = tpu.vector_load %arg7[%swap3A_140, %swap3A_141] {strides = array<i32>} : memref<80x128xi32, #tpu.memory_space<vmem>>, vector<1x16xi32>,
      %swap3A_143 = vector.shape_cast %swap3A_142 : vector<1x16xi32> to vector<16xi32>
      %swap3A_144 = vector.shape_cast %select_n3A_139 : vector<16xi32> to vector<1x16xi32>
      tpu.vector_store %arg7[%swap3A_140, %swap3A_141], %swap3A_144 {strides = array<i32>} : memref<80x128xi32, #tpu.memory_space<vmem>>, vector<1x16xi32>,
      %get3A_145 = arith.index_cast %scan3A_92 : i32 to index
      %get3A_146 = arith.constant 48 : index
      %get3A_147 = tpu.vector_load %arg7[%get3A_145, %get3A_146] {strides = array<i32>} : memref<80x128xi32, #tpu.memory_space<vmem>>, vector<1x16xi32>,
      %get3A_148 = vector.shape_cast %get3A_147 : vector<1x16xi32> to vector<16xi32>
      %and3A_149 = arith.constant 7 : i32
      %and3A_150 = vector.broadcast %and3A_149 : i32 to vector<16xi32>
      %and3A_151 = arith.andi %get3A_148, %and3A_150 : vector<16xi32>
      %add3A_152 = arith.constant 9712 : i32
      %add3A_153 = vector.broadcast %add3A_152 : i32 to vector<16xi32>
      %add3A_154 = arith.addi %add3A_153, %and3A_151 : vector<16xi32>
      %lt3A_155 = arith.constant 9712 : i32
      %lt3A_156 = vector.broadcast %lt3A_155 : i32 to vector<16xi32>
      %lt3A_157 = arith.cmpi slt, %get3A_148, %lt3A_156 : vector<16xi32>
      %select_n3A_158 = arith.select %lt3A_157, %get3A_148, %add3A_154 : vector<16xi1>, vector<16xi32>
      %swap3A_159 = arith.index_cast %scan3A_92 : i32 to index
      %swap3A_160 = arith.constant 48 : index
      %swap3A_161 = tpu.vector_load %arg7[%swap3A_159, %swap3A_160] {strides = array<i32>} : memref<80x128xi32, #tpu.memory_space<vmem>>, vector<1x16xi32>,
      %swap3A_162 = vector.shape_cast %swap3A_161 : vector<1x16xi32> to vector<16xi32>
      %swap3A_163 = vector.shape_cast %select_n3A_158 : vector<16xi32> to vector<1x16xi32>
      tpu.vector_store %arg7[%swap3A_159, %swap3A_160], %swap3A_163 {strides = array<i32>} : memref<80x128xi32, #tpu.memory_space<vmem>>, vector<1x16xi32>,
      %get3A_164 = arith.index_cast %scan3A_92 : i32 to index
      %get3A_165 = arith.constant 64 : index
      %get3A_166 = tpu.vector_load %arg7[%get3A_164, %get3A_165] {strides = array<i32>} : memref<80x128xi32, #tpu.memory_space<vmem>>, vector<1x16xi32>,
      %get3A_167 = vector.shape_cast %get3A_166 : vector<1x16xi32> to vector<16xi32>
      %and3A_168 = arith.constant 7 : i32
      %and3A_169 = vector.broadcast %and3A_168 : i32 to vector<16xi32>
      %and3A_170 = arith.andi %get3A_167, %and3A_169 : vector<16xi32>
      %add3A_171 = arith.constant 9712 : i32
      %add3A_172 = vector.broadcast %add3A_171 : i32 to vector<16xi32>
      %add3A_173 = arith.addi %add3A_172, %and3A_170 : vector<16xi32>
      %lt3A_174 = arith.constant 9712 : i32
      %lt3A_175 = vector.broadcast %lt3A_174 : i32 to vector<16xi32>
      %lt3A_176 = arith.cmpi slt, %get3A_167, %lt3A_175 : vector<16xi32>
      %select_n3A_177 = arith.select %lt3A_176, %get3A_167, %add3A_173 : vector<16xi1>, vector<16xi32>
      %swap3A_178 = arith.index_cast %scan3A_92 : i32 to index
      %swap3A_179 = arith.constant 64 : index
      %swap3A_180 = tpu.vector_load %arg7[%swap3A_178, %swap3A_179] {strides = array<i32>} : memref<80x128xi32, #tpu.memory_space<vmem>>, vector<1x16xi32>,
      %swap3A_181 = vector.shape_cast %swap3A_180 : vector<1x16xi32> to vector<16xi32>
      %swap3A_182 = vector.shape_cast %select_n3A_177 : vector<16xi32> to vector<1x16xi32>
      tpu.vector_store %arg7[%swap3A_178, %swap3A_179], %swap3A_182 {strides = array<i32>} : memref<80x128xi32, #tpu.memory_space<vmem>>, vector<1x16xi32>,
      %get3A_183 = arith.index_cast %scan3A_92 : i32 to index
      %get3A_184 = arith.constant 80 : index
      %get3A_185 = tpu.vector_load %arg7[%get3A_183, %get3A_184] {strides = array<i32>} : memref<80x128xi32, #tpu.memory_space<vmem>>, vector<1x16xi32>,
      %get3A_186 = vector.shape_cast %get3A_185 : vector<1x16xi32> to vector<16xi32>
      %and3A_187 = arith.constant 7 : i32
      %and3A_188 = vector.broadcast %and3A_187 : i32 to vector<16xi32>
      %and3A_189 = arith.andi %get3A_186, %and3A_188 : vector<16xi32>
      %add3A_190 = arith.constant 9712 : i32
      %add3A_191 = vector.broadcast %add3A_190 : i32 to vector<16xi32>
      %add3A_192 = arith.addi %add3A_191, %and3A_189 : vector<16xi32>
      %lt3A_193 = arith.constant 9712 : i32
      %lt3A_194 = vector.broadcast %lt3A_193 : i32 to vector<16xi32>
      %lt3A_195 = arith.cmpi slt, %get3A_186, %lt3A_194 : vector<16xi32>
      %select_n3A_196 = arith.select %lt3A_195, %get3A_186, %add3A_192 : vector<16xi1>, vector<16xi32>
      %swap3A_197 = arith.index_cast %scan3A_92 : i32 to index
      %swap3A_198 = arith.constant 80 : index
      %swap3A_199 = tpu.vector_load %arg7[%swap3A_197, %swap3A_198] {strides = array<i32>} : memref<80x128xi32, #tpu.memory_space<vmem>>, vector<1x16xi32>,
      %swap3A_200 = vector.shape_cast %swap3A_199 : vector<1x16xi32> to vector<16xi32>
      %swap3A_201 = vector.shape_cast %select_n3A_196 : vector<16xi32> to vector<1x16xi32>
      tpu.vector_store %arg7[%swap3A_197, %swap3A_198], %swap3A_201 {strides = array<i32>} : memref<80x128xi32, #tpu.memory_space<vmem>>, vector<1x16xi32>,
      %get3A_202 = arith.index_cast %scan3A_92 : i32 to index
      %get3A_203 = arith.constant 96 : index
      %get3A_204 = tpu.vector_load %arg7[%get3A_202, %get3A_203] {strides = array<i32>} : memref<80x128xi32, #tpu.memory_space<vmem>>, vector<1x16xi32>,
      %get3A_205 = vector.shape_cast %get3A_204 : vector<1x16xi32> to vector<16xi32>
      %and3A_206 = arith.constant 7 : i32
      %and3A_207 = vector.broadcast %and3A_206 : i32 to vector<16xi32>
      %and3A_208 = arith.andi %get3A_205, %and3A_207 : vector<16xi32>
      %add3A_209 = arith.constant 9712 : i32
      %add3A_210 = vector.broadcast %add3A_209 : i32 to vector<16xi32>
      %add3A_211 = arith.addi %add3A_210, %and3A_208 : vector<16xi32>
      %lt3A_212 = arith.constant 9712 : i32
      %lt3A_213 = vector.broadcast %lt3A_212 : i32 to vector<16xi32>
      %lt3A_214 = arith.cmpi slt, %get3A_205, %lt3A_213 : vector<16xi32>
      %select_n3A_215 = arith.select %lt3A_214, %get3A_205, %add3A_211 : vector<16xi1>, vector<16xi32>
      %swap3A_216 = arith.index_cast %scan3A_92 : i32 to index
      %swap3A_217 = arith.constant 96 : index
      %swap3A_218 = tpu.vector_load %arg7[%swap3A_216, %swap3A_217] {strides = array<i32>} : memref<80x128xi32, #tpu.memory_space<vmem>>, vector<1x16xi32>,
      %swap3A_219 = vector.shape_cast %swap3A_218 : vector<1x16xi32> to vector<16xi32>
      %swap3A_220 = vector.shape_cast %select_n3A_215 : vector<16xi32> to vector<1x16xi32>
      tpu.vector_store %arg7[%swap3A_216, %swap3A_217], %swap3A_220 {strides = array<i32>} : memref<80x128xi32, #tpu.memory_space<vmem>>, vector<1x16xi32>,
      %get3A_221 = arith.index_cast %scan3A_92 : i32 to index
      %get3A_222 = arith.constant 112 : index
      %get3A_223 = tpu.vector_load %arg7[%get3A_221, %get3A_222] {strides = array<i32>} : memref<80x128xi32, #tpu.memory_space<vmem>>, vector<1x16xi32>,
      %get3A_224 = vector.shape_cast %get3A_223 : vector<1x16xi32> to vector<16xi32>
      %and3A_225 = arith.constant 7 : i32
      %and3A_226 = vector.broadcast %and3A_225 : i32 to vector<16xi32>
      %and3A_227 = arith.andi %get3A_224, %and3A_226 : vector<16xi32>
      %add3A_228 = arith.constant 9712 : i32
      %add3A_229 = vector.broadcast %add3A_228 : i32 to vector<16xi32>
      %add3A_230 = arith.addi %add3A_229, %and3A_227 : vector<16xi32>
      %lt3A_231 = arith.constant 9712 : i32
      %lt3A_232 = vector.broadcast %lt3A_231 : i32 to vector<16xi32>
      %lt3A_233 = arith.cmpi slt, %get3A_224, %lt3A_232 : vector<16xi32>
      %select_n3A_234 = arith.select %lt3A_233, %get3A_224, %add3A_230 : vector<16xi1>, vector<16xi32>
      %swap3A_235 = arith.index_cast %scan3A_92 : i32 to index
      %swap3A_236 = arith.constant 112 : index
      %swap3A_237 = tpu.vector_load %arg7[%swap3A_235, %swap3A_236] {strides = array<i32>} : memref<80x128xi32, #tpu.memory_space<vmem>>, vector<1x16xi32>,
      %swap3A_238 = vector.shape_cast %swap3A_237 : vector<1x16xi32> to vector<16xi32>
      %swap3A_239 = vector.shape_cast %select_n3A_234 : vector<16xi32> to vector<1x16xi32>
      tpu.vector_store %arg7[%swap3A_235, %swap3A_236], %swap3A_239 {strides = array<i32>} : memref<80x128xi32, #tpu.memory_space<vmem>>, vector<1x16xi32>,
    }
    %scan3A_5 = arith.constant 80 : i32
    %scan3A_6 = arith.constant 0 : i32
    %scan3A_7 = arith.constant 0 : i32
    %scan3A_8 = arith.constant 128 : i32
    %scan3A_9 = arith.addi %scan3A_7, %scan3A_8 : i32
    %scan3A_10 = arith.constant 1 : i32
    scf.for %scan3A_92 = %scan3A_7 to %scan3A_9 step %scan3A_10  : i32 {
      %broadcast_in_dim3A = arith.constant 0.000000e+00 : f32
      %broadcast_in_dim3A_93 = vector.broadcast %broadcast_in_dim3A : f32 to vector<16xf32>
      %swap3A = arith.index_cast %scan3A_92 : i32 to index
      %swap3A_94 = arith.constant 0 : index
      %swap3A_95 = tpu.vector_load %arg8[%swap3A, %swap3A_94] {strides = array<i32>} : memref<128x128xf32, #tpu.memory_space<vmem>>, vector<1x16xf32>,
      %swap3A_96 = vector.shape_cast %swap3A_95 : vector<1x16xf32> to vector<16xf32>
      %swap3A_97 = vector.shape_cast %broadcast_in_dim3A_93 : vector<16xf32> to vector<1x16xf32>
      tpu.vector_store %arg8[%swap3A, %swap3A_94], %swap3A_97 {strides = array<i32>} : memref<128x128xf32, #tpu.memory_space<vmem>>, vector<1x16xf32>,
      %broadcast_in_dim3A_98 = arith.constant 0.000000e+00 : f32
      %broadcast_in_dim3A_99 = vector.broadcast %broadcast_in_dim3A_98 : f32 to vector<16xf32>
      %swap3A_100 = arith.index_cast %scan3A_92 : i32 to index
      %swap3A_101 = arith.constant 16 : index
      %swap3A_102 = tpu.vector_load %arg8[%swap3A_100, %swap3A_101] {strides = array<i32>} : memref<128x128xf32, #tpu.memory_space<vmem>>, vector<1x16xf32>,
      %swap3A_103 = vector.shape_cast %swap3A_102 : vector<1x16xf32> to vector<16xf32>
      %swap3A_104 = vector.shape_cast %broadcast_in_dim3A_99 : vector<16xf32> to vector<1x16xf32>
      tpu.vector_store %arg8[%swap3A_100, %swap3A_101], %swap3A_104 {strides = array<i32>} : memref<128x128xf32, #tpu.memory_space<vmem>>, vector<1x16xf32>,
      %broadcast_in_dim3A_105 = arith.constant 0.000000e+00 : f32
      %broadcast_in_dim3A_106 = vector.broadcast %broadcast_in_dim3A_105 : f32 to vector<16xf32>
      %swap3A_107 = arith.index_cast %scan3A_92 : i32 to index
      %swap3A_108 = arith.constant 32 : index
      %swap3A_109 = tpu.vector_load %arg8[%swap3A_107, %swap3A_108] {strides = array<i32>} : memref<128x128xf32, #tpu.memory_space<vmem>>, vector<1x16xf32>,
      %swap3A_110 = vector.shape_cast %swap3A_109 : vector<1x16xf32> to vector<16xf32>
      %swap3A_111 = vector.shape_cast %broadcast_in_dim3A_106 : vector<16xf32> to vector<1x16xf32>
      tpu.vector_store %arg8[%swap3A_107, %swap3A_108], %swap3A_111 {strides = array<i32>} : memref<128x128xf32, #tpu.memory_space<vmem>>, vector<1x16xf32>,
      %broadcast_in_dim3A_112 = arith.constant 0.000000e+00 : f32
      %broadcast_in_dim3A_113 = vector.broadcast %broadcast_in_dim3A_112 : f32 to vector<16xf32>
      %swap3A_114 = arith.index_cast %scan3A_92 : i32 to index
      %swap3A_115 = arith.constant 48 : index
      %swap3A_116 = tpu.vector_load %arg8[%swap3A_114, %swap3A_115] {strides = array<i32>} : memref<128x128xf32, #tpu.memory_space<vmem>>, vector<1x16xf32>,
      %swap3A_117 = vector.shape_cast %swap3A_116 : vector<1x16xf32> to vector<16xf32>
      %swap3A_118 = vector.shape_cast %broadcast_in_dim3A_113 : vector<16xf32> to vector<1x16xf32>
      tpu.vector_store %arg8[%swap3A_114, %swap3A_115], %swap3A_118 {strides = array<i32>} : memref<128x128xf32, #tpu.memory_space<vmem>>, vector<1x16xf32>,
      %broadcast_in_dim3A_119 = arith.constant 0.000000e+00 : f32
      %broadcast_in_dim3A_120 = vector.broadcast %broadcast_in_dim3A_119 : f32 to vector<16xf32>
      %swap3A_121 = arith.index_cast %scan3A_92 : i32 to index
      %swap3A_122 = arith.constant 64 : index
      %swap3A_123 = tpu.vector_load %arg8[%swap3A_121, %swap3A_122] {strides = array<i32>} : memref<128x128xf32, #tpu.memory_space<vmem>>, vector<1x16xf32>,
      %swap3A_124 = vector.shape_cast %swap3A_123 : vector<1x16xf32> to vector<16xf32>
      %swap3A_125 = vector.shape_cast %broadcast_in_dim3A_120 : vector<16xf32> to vector<1x16xf32>
      tpu.vector_store %arg8[%swap3A_121, %swap3A_122], %swap3A_125 {strides = array<i32>} : memref<128x128xf32, #tpu.memory_space<vmem>>, vector<1x16xf32>,
      %broadcast_in_dim3A_126 = arith.constant 0.000000e+00 : f32
      %broadcast_in_dim3A_127 = vector.broadcast %broadcast_in_dim3A_126 : f32 to vector<16xf32>
      %swap3A_128 = arith.index_cast %scan3A_92 : i32 to index
      %swap3A_129 = arith.constant 80 : index
      %swap3A_130 = tpu.vector_load %arg8[%swap3A_128, %swap3A_129] {strides = array<i32>} : memref<128x128xf32, #tpu.memory_space<vmem>>, vector<1x16xf32>,
      %swap3A_131 = vector.shape_cast %swap3A_130 : vector<1x16xf32> to vector<16xf32>
      %swap3A_132 = vector.shape_cast %broadcast_in_dim3A_127 : vector<16xf32> to vector<1x16xf32>
      tpu.vector_store %arg8[%swap3A_128, %swap3A_129], %swap3A_132 {strides = array<i32>} : memref<128x128xf32, #tpu.memory_space<vmem>>, vector<1x16xf32>,
      %broadcast_in_dim3A_133 = arith.constant 0.000000e+00 : f32
      %broadcast_in_dim3A_134 = vector.broadcast %broadcast_in_dim3A_133 : f32 to vector<16xf32>
      %swap3A_135 = arith.index_cast %scan3A_92 : i32 to index
      %swap3A_136 = arith.constant 96 : index
      %swap3A_137 = tpu.vector_load %arg8[%swap3A_135, %swap3A_136] {strides = array<i32>} : memref<128x128xf32, #tpu.memory_space<vmem>>, vector<1x16xf32>,
      %swap3A_138 = vector.shape_cast %swap3A_137 : vector<1x16xf32> to vector<16xf32>
      %swap3A_139 = vector.shape_cast %broadcast_in_dim3A_134 : vector<16xf32> to vector<1x16xf32>
      tpu.vector_store %arg8[%swap3A_135, %swap3A_136], %swap3A_139 {strides = array<i32>} : memref<128x128xf32, #tpu.memory_space<vmem>>, vector<1x16xf32>,
      %broadcast_in_dim3A_140 = arith.constant 0.000000e+00 : f32
      %broadcast_in_dim3A_141 = vector.broadcast %broadcast_in_dim3A_140 : f32 to vector<16xf32>
      %swap3A_142 = arith.index_cast %scan3A_92 : i32 to index
      %swap3A_143 = arith.constant 112 : index
      %swap3A_144 = tpu.vector_load %arg8[%swap3A_142, %swap3A_143] {strides = array<i32>} : memref<128x128xf32, #tpu.memory_space<vmem>>, vector<1x16xf32>,
      %swap3A_145 = vector.shape_cast %swap3A_144 : vector<1x16xf32> to vector<16xf32>
      %swap3A_146 = vector.shape_cast %broadcast_in_dim3A_141 : vector<16xf32> to vector<1x16xf32>
      tpu.vector_store %arg8[%swap3A_142, %swap3A_143], %swap3A_146 {strides = array<i32>} : memref<128x128xf32, #tpu.memory_space<vmem>>, vector<1x16xf32>,
    }
    %scan3A_11 = arith.constant 128 : i32
    %mul3A_12 = arith.constant 607 : i32
    %mul3A_13 = arith.muli %arg1, %mul3A_12 : i32
    %add3A_14 = arith.constant 0 : i32
    %add3A_15 = arith.addi %mul3A_13, %add3A_14 : i32
    "tpu.region"() ({
      %run_scoped3A = tpu.sem_alloc : memref<!tpu.dma_semaphore, #tpu.memory_space<semaphore_mem>>
      %dma_start3A_92 = arith.constant 0 : i32
      %dma_start3A_93 = arith.constant 0 : i32
      %dma_start3A_94 = tpu.memref_slice %arg8[%dma_start3A_92, %dma_start3A_93] : memref<128x128xf32, #tpu.memory_space<vmem>> -> memref<128x128xf32, #tpu.memory_space<vmem>>
      %dma_start3A_95 = arith.constant 0 : i32
      %dma_start3A_96 = tpu.memref_slice %arg12[%add3A_15, %dma_start3A_95] : memref<9720x128xf32, #tpu.memory_space<vmem_shared>> -> memref<128x128xf32, #tpu.memory_space<vmem_shared>>
      %dma_start3A_97 = arith.constant 0 : i32
      %dma_start3A_98 = tpu.memref_slice %arg12[%add3A_15, %dma_start3A_97] : memref<9720x128xf32, #tpu.memory_space<vmem_shared>> -> memref<128x128xf32, #tpu.memory_space<vmem_shared>>
      %dma_start3A_99 = arith.constant 0 : i32
      %dma_start3A_100 = arith.constant 0 : i32
      %dma_start3A_101 = tpu.memref_slice %arg8[%dma_start3A_99, %dma_start3A_100] : memref<128x128xf32, #tpu.memory_space<vmem>> -> memref<128x128xf32, #tpu.memory_space<vmem>>
      tpu.enqueue_dma source(%dma_start3A_101 : memref<128x128xf32, #tpu.memory_space<vmem>>) target(%dma_start3A_98 : memref<128x128xf32, #tpu.memory_space<vmem_shared>>) target_semaphore(%run_scoped3A : memref<!tpu.dma_semaphore, #tpu.memory_space<semaphore_mem>>)
      %dma_wait3A = arith.constant 0 : i32
      %dma_wait3A_102 = arith.constant 0 : i32
      %dma_wait3A_103 = tpu.memref_slice %arg8[%dma_wait3A, %dma_wait3A_102] : memref<128x128xf32, #tpu.memory_space<vmem>> -> memref<128x128xf32, #tpu.memory_space<vmem>>
      %dma_wait3A_104 = arith.constant 0 : i32
      %dma_wait3A_105 = tpu.memref_slice %arg12[%add3A_15, %dma_wait3A_104] : memref<9720x128xf32, #tpu.memory_space<vmem_shared>> -> memref<128x128xf32, #tpu.memory_space<vmem_shared>>
      %dma_wait3A_106 = arith.constant 0 : i32
      %dma_wait3A_107 = tpu.memref_slice %arg12[%add3A_15, %dma_wait3A_106] : memref<9720x128xf32, #tpu.memory_space<vmem_shared>> -> memref<128x128xf32, #tpu.memory_space<vmem_shared>>
      %dma_wait3A_108 = arith.constant 0 : i32
      %dma_wait3A_109 = arith.constant 0 : i32
      %dma_wait3A_110 = tpu.memref_slice %arg8[%dma_wait3A_108, %dma_wait3A_109] : memref<128x128xf32, #tpu.memory_space<vmem>> -> memref<128x128xf32, #tpu.memory_space<vmem>>
      tpu.wait_dma2 semaphore(%run_scoped3A : memref<!tpu.dma_semaphore, #tpu.memory_space<semaphore_mem>>) src(%dma_wait3A_110 : memref<128x128xf32, #tpu.memory_space<vmem>>) dst(%dma_wait3A_107 : memref<128x128xf32, #tpu.memory_space<vmem_shared>>)
      tpu.yield
    }) : () -> ()
    %add3A_16 = arith.constant 128 : i32
    %add3A_17 = arith.addi %mul3A_13, %add3A_16 : i32
    "tpu.region"() ({
      %run_scoped3A = tpu.sem_alloc : memref<!tpu.dma_semaphore, #tpu.memory_space<semaphore_mem>>
      %dma_start3A_92 = arith.constant 0 : i32
      %dma_start3A_93 = arith.constant 0 : i32
      %dma_start3A_94 = tpu.memref_slice %arg8[%dma_start3A_92, %dma_start3A_93] : memref<128x128xf32, #tpu.memory_space<vmem>> -> memref<128x128xf32, #tpu.memory_space<vmem>>
      %dma_start3A_95 = arith.constant 0 : i32
      %dma_start3A_96 = tpu.memref_slice %arg12[%add3A_17, %dma_start3A_95] : memref<9720x128xf32, #tpu.memory_space<vmem_shared>> -> memref<128x128xf32, #tpu.memory_space<vmem_shared>>
      %dma_start3A_97 = arith.constant 0 : i32
      %dma_start3A_98 = tpu.memref_slice %arg12[%add3A_17, %dma_start3A_97] : memref<9720x128xf32, #tpu.memory_space<vmem_shared>> -> memref<128x128xf32, #tpu.memory_space<vmem_shared>>
      %dma_start3A_99 = arith.constant 0 : i32
      %dma_start3A_100 = arith.constant 0 : i32
      %dma_start3A_101 = tpu.memref_slice %arg8[%dma_start3A_99, %dma_start3A_100] : memref<128x128xf32, #tpu.memory_space<vmem>> -> memref<128x128xf32, #tpu.memory_space<vmem>>
      tpu.enqueue_dma source(%dma_start3A_101 : memref<128x128xf32, #tpu.memory_space<vmem>>) target(%dma_start3A_98 : memref<128x128xf32, #tpu.memory_space<vmem_shared>>) target_semaphore(%run_scoped3A : memref<!tpu.dma_semaphore, #tpu.memory_space<semaphore_mem>>)
      %dma_wait3A = arith.constant 0 : i32
      %dma_wait3A_102 = arith.constant 0 : i32
      %dma_wait3A_103 = tpu.memref_slice %arg8[%dma_wait3A, %dma_wait3A_102] : memref<128x128xf32, #tpu.memory_space<vmem>> -> memref<128x128xf32, #tpu.memory_space<vmem>>
      %dma_wait3A_104 = arith.constant 0 : i32
      %dma_wait3A_105 = tpu.memref_slice %arg12[%add3A_17, %dma_wait3A_104] : memref<9720x128xf32, #tpu.memory_space<vmem_shared>> -> memref<128x128xf32, #tpu.memory_space<vmem_shared>>
      %dma_wait3A_106 = arith.constant 0 : i32
      %dma_wait3A_107 = tpu.memref_slice %arg12[%add3A_17, %dma_wait3A_106] : memref<9720x128xf32, #tpu.memory_space<vmem_shared>> -> memref<128x128xf32, #tpu.memory_space<vmem_shared>>
      %dma_wait3A_108 = arith.constant 0 : i32
      %dma_wait3A_109 = arith.constant 0 : i32
      %dma_wait3A_110 = tpu.memref_slice %arg8[%dma_wait3A_108, %dma_wait3A_109] : memref<128x128xf32, #tpu.memory_space<vmem>> -> memref<128x128xf32, #tpu.memory_space<vmem>>
      tpu.wait_dma2 semaphore(%run_scoped3A : memref<!tpu.dma_semaphore, #tpu.memory_space<semaphore_mem>>) src(%dma_wait3A_110 : memref<128x128xf32, #tpu.memory_space<vmem>>) dst(%dma_wait3A_107 : memref<128x128xf32, #tpu.memory_space<vmem_shared>>)
      tpu.yield
    }) : () -> ()
    %add3A_18 = arith.constant 256 : i32
    %add3A_19 = arith.addi %mul3A_13, %add3A_18 : i32
    "tpu.region"() ({
      %run_scoped3A = tpu.sem_alloc : memref<!tpu.dma_semaphore, #tpu.memory_space<semaphore_mem>>
      %dma_start3A_92 = arith.constant 0 : i32
      %dma_start3A_93 = arith.constant 0 : i32
      %dma_start3A_94 = tpu.memref_slice %arg8[%dma_start3A_92, %dma_start3A_93] : memref<128x128xf32, #tpu.memory_space<vmem>> -> memref<128x128xf32, #tpu.memory_space<vmem>>
      %dma_start3A_95 = arith.constant 0 : i32
      %dma_start3A_96 = tpu.memref_slice %arg12[%add3A_19, %dma_start3A_95] : memref<9720x128xf32, #tpu.memory_space<vmem_shared>> -> memref<128x128xf32, #tpu.memory_space<vmem_shared>>
      %dma_start3A_97 = arith.constant 0 : i32
      %dma_start3A_98 = tpu.memref_slice %arg12[%add3A_19, %dma_start3A_97] : memref<9720x128xf32, #tpu.memory_space<vmem_shared>> -> memref<128x128xf32, #tpu.memory_space<vmem_shared>>
      %dma_start3A_99 = arith.constant 0 : i32
      %dma_start3A_100 = arith.constant 0 : i32
      %dma_start3A_101 = tpu.memref_slice %arg8[%dma_start3A_99, %dma_start3A_100] : memref<128x128xf32, #tpu.memory_space<vmem>> -> memref<128x128xf32, #tpu.memory_space<vmem>>
      tpu.enqueue_dma source(%dma_start3A_101 : memref<128x128xf32, #tpu.memory_space<vmem>>) target(%dma_start3A_98 : memref<128x128xf32, #tpu.memory_space<vmem_shared>>) target_semaphore(%run_scoped3A : memref<!tpu.dma_semaphore, #tpu.memory_space<semaphore_mem>>)
      %dma_wait3A = arith.constant 0 : i32
      %dma_wait3A_102 = arith.constant 0 : i32
      %dma_wait3A_103 = tpu.memref_slice %arg8[%dma_wait3A, %dma_wait3A_102] : memref<128x128xf32, #tpu.memory_space<vmem>> -> memref<128x128xf32, #tpu.memory_space<vmem>>
      %dma_wait3A_104 = arith.constant 0 : i32
      %dma_wait3A_105 = tpu.memref_slice %arg12[%add3A_19, %dma_wait3A_104] : memref<9720x128xf32, #tpu.memory_space<vmem_shared>> -> memref<128x128xf32, #tpu.memory_space<vmem_shared>>
      %dma_wait3A_106 = arith.constant 0 : i32
      %dma_wait3A_107 = tpu.memref_slice %arg12[%add3A_19, %dma_wait3A_106] : memref<9720x128xf32, #tpu.memory_space<vmem_shared>> -> memref<128x128xf32, #tpu.memory_space<vmem_shared>>
      %dma_wait3A_108 = arith.constant 0 : i32
      %dma_wait3A_109 = arith.constant 0 : i32
      %dma_wait3A_110 = tpu.memref_slice %arg8[%dma_wait3A_108, %dma_wait3A_109] : memref<128x128xf32, #tpu.memory_space<vmem>> -> memref<128x128xf32, #tpu.memory_space<vmem>>
      tpu.wait_dma2 semaphore(%run_scoped3A : memref<!tpu.dma_semaphore, #tpu.memory_space<semaphore_mem>>) src(%dma_wait3A_110 : memref<128x128xf32, #tpu.memory_space<vmem>>) dst(%dma_wait3A_107 : memref<128x128xf32, #tpu.memory_space<vmem_shared>>)
      tpu.yield
    }) : () -> ()
    %add3A_20 = arith.constant 384 : i32
    %add3A_21 = arith.addi %mul3A_13, %add3A_20 : i32
    "tpu.region"() ({
      %run_scoped3A = tpu.sem_alloc : memref<!tpu.dma_semaphore, #tpu.memory_space<semaphore_mem>>
      %dma_start3A_92 = arith.constant 0 : i32
      %dma_start3A_93 = arith.constant 0 : i32
      %dma_start3A_94 = tpu.memref_slice %arg8[%dma_start3A_92, %dma_start3A_93] : memref<128x128xf32, #tpu.memory_space<vmem>> -> memref<128x128xf32, #tpu.memory_space<vmem>>
      %dma_start3A_95 = arith.constant 0 : i32
      %dma_start3A_96 = tpu.memref_slice %arg12[%add3A_21, %dma_start3A_95] : memref<9720x128xf32, #tpu.memory_space<vmem_shared>> -> memref<128x128xf32, #tpu.memory_space<vmem_shared>>
      %dma_start3A_97 = arith.constant 0 : i32
      %dma_start3A_98 = tpu.memref_slice %arg12[%add3A_21, %dma_start3A_97] : memref<9720x128xf32, #tpu.memory_space<vmem_shared>> -> memref<128x128xf32, #tpu.memory_space<vmem_shared>>
      %dma_start3A_99 = arith.constant 0 : i32
      %dma_start3A_100 = arith.constant 0 : i32
      %dma_start3A_101 = tpu.memref_slice %arg8[%dma_start3A_99, %dma_start3A_100] : memref<128x128xf32, #tpu.memory_space<vmem>> -> memref<128x128xf32, #tpu.memory_space<vmem>>
      tpu.enqueue_dma source(%dma_start3A_101 : memref<128x128xf32, #tpu.memory_space<vmem>>) target(%dma_start3A_98 : memref<128x128xf32, #tpu.memory_space<vmem_shared>>) target_semaphore(%run_scoped3A : memref<!tpu.dma_semaphore, #tpu.memory_space<semaphore_mem>>)
      %dma_wait3A = arith.constant 0 : i32
      %dma_wait3A_102 = arith.constant 0 : i32
      %dma_wait3A_103 = tpu.memref_slice %arg8[%dma_wait3A, %dma_wait3A_102] : memref<128x128xf32, #tpu.memory_space<vmem>> -> memref<128x128xf32, #tpu.memory_space<vmem>>
      %dma_wait3A_104 = arith.constant 0 : i32
      %dma_wait3A_105 = tpu.memref_slice %arg12[%add3A_21, %dma_wait3A_104] : memref<9720x128xf32, #tpu.memory_space<vmem_shared>> -> memref<128x128xf32, #tpu.memory_space<vmem_shared>>
      %dma_wait3A_106 = arith.constant 0 : i32
      %dma_wait3A_107 = tpu.memref_slice %arg12[%add3A_21, %dma_wait3A_106] : memref<9720x128xf32, #tpu.memory_space<vmem_shared>> -> memref<128x128xf32, #tpu.memory_space<vmem_shared>>
      %dma_wait3A_108 = arith.constant 0 : i32
      %dma_wait3A_109 = arith.constant 0 : i32
      %dma_wait3A_110 = tpu.memref_slice %arg8[%dma_wait3A_108, %dma_wait3A_109] : memref<128x128xf32, #tpu.memory_space<vmem>> -> memref<128x128xf32, #tpu.memory_space<vmem>>
      tpu.wait_dma2 semaphore(%run_scoped3A : memref<!tpu.dma_semaphore, #tpu.memory_space<semaphore_mem>>) src(%dma_wait3A_110 : memref<128x128xf32, #tpu.memory_space<vmem>>) dst(%dma_wait3A_107 : memref<128x128xf32, #tpu.memory_space<vmem_shared>>)
      tpu.yield
    }) : () -> ()
    %add3A_22 = arith.constant 512 : i32
    %add3A_23 = arith.addi %mul3A_13, %add3A_22 : i32
    "tpu.region"() ({
      %run_scoped3A = tpu.sem_alloc : memref<!tpu.dma_semaphore, #tpu.memory_space<semaphore_mem>>
      %dma_start3A_92 = arith.constant 0 : i32
      %dma_start3A_93 = arith.constant 0 : i32
      %dma_start3A_94 = tpu.memref_slice %arg8[%dma_start3A_92, %dma_start3A_93] : memref<128x128xf32, #tpu.memory_space<vmem>> -> memref<95x128xf32, #tpu.memory_space<vmem>>
      %dma_start3A_95 = arith.constant 0 : i32
      %dma_start3A_96 = tpu.memref_slice %arg12[%add3A_23, %dma_start3A_95] : memref<9720x128xf32, #tpu.memory_space<vmem_shared>> -> memref<95x128xf32, #tpu.memory_space<vmem_shared>>
      %dma_start3A_97 = arith.constant 0 : i32
      %dma_start3A_98 = tpu.memref_slice %arg12[%add3A_23, %dma_start3A_97] : memref<9720x128xf32, #tpu.memory_space<vmem_shared>> -> memref<95x128xf32, #tpu.memory_space<vmem_shared>>
      %dma_start3A_99 = arith.constant 0 : i32
      %dma_start3A_100 = arith.constant 0 : i32
      %dma_start3A_101 = tpu.memref_slice %arg8[%dma_start3A_99, %dma_start3A_100] : memref<128x128xf32, #tpu.memory_space<vmem>> -> memref<95x128xf32, #tpu.memory_space<vmem>>
      tpu.enqueue_dma source(%dma_start3A_101 : memref<95x128xf32, #tpu.memory_space<vmem>>) target(%dma_start3A_98 : memref<95x128xf32, #tpu.memory_space<vmem_shared>>) target_semaphore(%run_scoped3A : memref<!tpu.dma_semaphore, #tpu.memory_space<semaphore_mem>>)
      %dma_wait3A = arith.constant 0 : i32
      %dma_wait3A_102 = arith.constant 0 : i32
      %dma_wait3A_103 = tpu.memref_slice %arg8[%dma_wait3A, %dma_wait3A_102] : memref<128x128xf32, #tpu.memory_space<vmem>> -> memref<95x128xf32, #tpu.memory_space<vmem>>
      %dma_wait3A_104 = arith.constant 0 : i32
      %dma_wait3A_105 = tpu.memref_slice %arg12[%add3A_23, %dma_wait3A_104] : memref<9720x128xf32, #tpu.memory_space<vmem_shared>> -> memref<95x128xf32, #tpu.memory_space<vmem_shared>>
      %dma_wait3A_106 = arith.constant 0 : i32
      %dma_wait3A_107 = tpu.memref_slice %arg12[%add3A_23, %dma_wait3A_106] : memref<9720x128xf32, #tpu.memory_space<vmem_shared>> -> memref<95x128xf32, #tpu.memory_space<vmem_shared>>
      %dma_wait3A_108 = arith.constant 0 : i32
      %dma_wait3A_109 = arith.constant 0 : i32
      %dma_wait3A_110 = tpu.memref_slice %arg8[%dma_wait3A_108, %dma_wait3A_109] : memref<128x128xf32, #tpu.memory_space<vmem>> -> memref<95x128xf32, #tpu.memory_space<vmem>>
      tpu.wait_dma2 semaphore(%run_scoped3A : memref<!tpu.dma_semaphore, #tpu.memory_space<semaphore_mem>>) src(%dma_wait3A_110 : memref<95x128xf32, #tpu.memory_space<vmem>>) dst(%dma_wait3A_107 : memref<95x128xf32, #tpu.memory_space<vmem_shared>>)
      tpu.yield
    }) : () -> ()
    %eq3A = arith.constant 15 : i32
    %eq3A_24 = arith.cmpi eq, %arg1, %eq3A : i32
    %convert_element_type3A = arith.extui %eq3A_24 : i1 to i32
    %cond3A = arith.constant 0 : i32
    %cond3A_25 = arith.cmpi ne, %convert_element_type3A, %cond3A : i32
    scf.if %cond3A_25 {
      "tpu.region"() ({
        %run_scoped3A = tpu.sem_alloc : memref<!tpu.dma_semaphore, #tpu.memory_space<semaphore_mem>>
        %dma_start3A_92 = arith.constant 0 : i32
        %dma_start3A_93 = arith.constant 0 : i32
        %dma_start3A_94 = tpu.memref_slice %arg8[%dma_start3A_92, %dma_start3A_93] : memref<128x128xf32, #tpu.memory_space<vmem>> -> memref<8x128xf32, #tpu.memory_space<vmem>>
        %dma_start3A_95 = arith.constant 9712 : i32
        %dma_start3A_96 = arith.constant 0 : i32
        %dma_start3A_97 = tpu.memref_slice %arg12[%dma_start3A_95, %dma_start3A_96] : memref<9720x128xf32, #tpu.memory_space<vmem_shared>> -> memref<8x128xf32, #tpu.memory_space<vmem_shared>>
        %dma_start3A_98 = arith.constant 9712 : i32
        %dma_start3A_99 = arith.constant 0 : i32
        %dma_start3A_100 = tpu.memref_slice %arg12[%dma_start3A_98, %dma_start3A_99] : memref<9720x128xf32, #tpu.memory_space<vmem_shared>> -> memref<8x128xf32, #tpu.memory_space<vmem_shared>>
        %dma_start3A_101 = arith.constant 0 : i32
        %dma_start3A_102 = arith.constant 0 : i32
        %dma_start3A_103 = tpu.memref_slice %arg8[%dma_start3A_101, %dma_start3A_102] : memref<128x128xf32, #tpu.memory_space<vmem>> -> memref<8x128xf32, #tpu.memory_space<vmem>>
        tpu.enqueue_dma source(%dma_start3A_103 : memref<8x128xf32, #tpu.memory_space<vmem>>) target(%dma_start3A_100 : memref<8x128xf32, #tpu.memory_space<vmem_shared>>) target_semaphore(%run_scoped3A : memref<!tpu.dma_semaphore, #tpu.memory_space<semaphore_mem>>)
        %dma_wait3A = arith.constant 0 : i32
        %dma_wait3A_104 = arith.constant 0 : i32
        %dma_wait3A_105 = tpu.memref_slice %arg8[%dma_wait3A, %dma_wait3A_104] : memref<128x128xf32, #tpu.memory_space<vmem>> -> memref<8x128xf32, #tpu.memory_space<vmem>>
        %dma_wait3A_106 = arith.constant 9712 : i32
        %dma_wait3A_107 = arith.constant 0 : i32
        %dma_wait3A_108 = tpu.memref_slice %arg12[%dma_wait3A_106, %dma_wait3A_107] : memref<9720x128xf32, #tpu.memory_space<vmem_shared>> -> memref<8x128xf32, #tpu.memory_space<vmem_shared>>
        %dma_wait3A_109 = arith.constant 9712 : i32
        %dma_wait3A_110 = arith.constant 0 : i32
        %dma_wait3A_111 = tpu.memref_slice %arg12[%dma_wait3A_109, %dma_wait3A_110] : memref<9720x128xf32, #tpu.memory_space<vmem_shared>> -> memref<8x128xf32, #tpu.memory_space<vmem_shared>>
        %dma_wait3A_112 = arith.constant 0 : i32
        %dma_wait3A_113 = arith.constant 0 : i32
        %dma_wait3A_114 = tpu.memref_slice %arg8[%dma_wait3A_112, %dma_wait3A_113] : memref<128x128xf32, #tpu.memory_space<vmem>> -> memref<8x128xf32, #tpu.memory_space<vmem>>
        tpu.wait_dma2 semaphore(%run_scoped3A : memref<!tpu.dma_semaphore, #tpu.memory_space<semaphore_mem>>) src(%dma_wait3A_114 : memref<8x128xf32, #tpu.memory_space<vmem>>) dst(%dma_wait3A_111 : memref<8x128xf32, #tpu.memory_space<vmem_shared>>)
        tpu.yield
      }) : () -> ()
    } else {
    }
    %barrier3A = arith.constant 0 : index
    tpu.barrier barrier_id(%barrier3A)
    %dma_start3A = arith.constant 0 : i32
    %dma_start3A_26 = arith.constant 0 : i32
    %dma_start3A_27 = tpu.memref_slice %arg6[%dma_start3A, %dma_start3A_26] : memref<80x128xi32, #tpu.memory_space<vmem>> -> memref<1x128xi32, #tpu.memory_space<vmem>>
    %dma_start3A_28 = tpu.memref_squeeze %dma_start3A_27 : memref<1x128xi32, #tpu.memory_space<vmem>> -> memref<128xi32, #tpu.memory_space<vmem>>
    %dma_start3A_29 = arith.constant 0 : i32
    %dma_start3A_30 = arith.constant 0 : i32
    %dma_start3A_31 = tpu.memref_slice %arg2[%dma_start3A_29, %dma_start3A_30] : memref<10000x128xf32, #tpu.memory_space<hbm>> -> memref<10000x128xf32, #tpu.memory_space<hbm>>
    tpu.enqueue_indirect_dma source(%dma_start3A_31 : memref<10000x128xf32, #tpu.memory_space<hbm>>) target(%arg8 : memref<128x128xf32, #tpu.memory_space<vmem>>) offsets(%dma_start3A_28 : memref<128xi32, #tpu.memory_space<vmem>>) semaphore(%arg10 : memref<!tpu.dma_semaphore, #tpu.memory_space<semaphore_mem>>)
    %dma_start3A_32 = arith.constant 1 : i32
    %dma_start3A_33 = arith.constant 0 : i32
    %dma_start3A_34 = tpu.memref_slice %arg6[%dma_start3A_32, %dma_start3A_33] : memref<80x128xi32, #tpu.memory_space<vmem>> -> memref<1x128xi32, #tpu.memory_space<vmem>>
    %dma_start3A_35 = tpu.memref_squeeze %dma_start3A_34 : memref<1x128xi32, #tpu.memory_space<vmem>> -> memref<128xi32, #tpu.memory_space<vmem>>
    %dma_start3A_36 = arith.constant 0 : i32
    %dma_start3A_37 = arith.constant 0 : i32
    %dma_start3A_38 = tpu.memref_slice %arg2[%dma_start3A_36, %dma_start3A_37] : memref<10000x128xf32, #tpu.memory_space<hbm>> -> memref<10000x128xf32, #tpu.memory_space<hbm>>
    tpu.enqueue_indirect_dma source(%dma_start3A_38 : memref<10000x128xf32, #tpu.memory_space<hbm>>) target(%arg9 : memref<128x128xf32, #tpu.memory_space<vmem>>) offsets(%dma_start3A_35 : memref<128xi32, #tpu.memory_space<vmem>>) semaphore(%arg11 : memref<!tpu.dma_semaphore, #tpu.memory_space<semaphore_mem>>)
    %scan3A_39 = arith.constant 0 : i32
    %scan3A_40 = arith.constant 0 : i32
    %scan3A_41 = arith.constant 40 : i32
    %scan3A_42 = arith.addi %scan3A_40, %scan3A_41 : i32
    %scan3A_43 = arith.constant 1 : i32
    scf.for %scan3A_92 = %scan3A_40 to %scan3A_42 step %scan3A_43  : i32 {
      %mul3A_93 = arith.constant 2 : i32
      %mul3A_94 = arith.muli %mul3A_93, %scan3A_92 : i32
      %dma_wait3A = arith.constant 0 : i32
      %dma_wait3A_95 = tpu.memref_slice %arg6[%mul3A_94, %dma_wait3A] : memref<80x128xi32, #tpu.memory_space<vmem>> -> memref<1x128xi32, #tpu.memory_space<vmem>>
      %dma_wait3A_96 = tpu.memref_squeeze %dma_wait3A_95 : memref<1x128xi32, #tpu.memory_space<vmem>> -> memref<128xi32, #tpu.memory_space<vmem>>
      %dma_wait3A_97 = arith.constant 0 : i32
      %dma_wait3A_98 = arith.constant 0 : i32
      %dma_wait3A_99 = tpu.memref_slice %arg2[%dma_wait3A_97, %dma_wait3A_98] : memref<10000x128xf32, #tpu.memory_space<hbm>> -> memref<10000x128xf32, #tpu.memory_space<hbm>>
      tpu.wait_indirect_dma semaphore(%arg10 : memref<!tpu.dma_semaphore, #tpu.memory_space<semaphore_mem>>) src(%dma_wait3A_99 : memref<10000x128xf32, #tpu.memory_space<hbm>>) dst(%arg8 : memref<128x128xf32, #tpu.memory_space<vmem>>)
      "tpu.region"() ({
        %run_scoped3A = tpu.sem_alloc : memref<!tpu.dma_semaphore, #tpu.memory_space<semaphore_mem>>
        %dma_start3A_123 = arith.constant 0 : i32
        %dma_start3A_124 = tpu.memref_slice %arg7[%mul3A_94, %dma_start3A_123] : memref<80x128xi32, #tpu.memory_space<vmem>> -> memref<1x128xi32, #tpu.memory_space<vmem>>
        %dma_start3A_125 = tpu.memref_squeeze %dma_start3A_124 : memref<1x128xi32, #tpu.memory_space<vmem>> -> memref<128xi32, #tpu.memory_space<vmem>>
        %dma_start3A_126 = arith.constant 0 : i32
        %dma_start3A_127 = arith.constant 0 : i32
        %dma_start3A_128 = tpu.memref_slice %arg12[%dma_start3A_126, %dma_start3A_127] : memref<9720x128xf32, #tpu.memory_space<vmem_shared>> -> memref<9720x128xf32, #tpu.memory_space<vmem_shared>>
        tpu.enqueue_indirect_dma source(%arg8 : memref<128x128xf32, #tpu.memory_space<vmem>>) target(%dma_start3A_128 : memref<9720x128xf32, #tpu.memory_space<vmem_shared>>) offsets(%dma_start3A_125 : memref<128xi32, #tpu.memory_space<vmem>>) semaphore(%run_scoped3A : memref<!tpu.dma_semaphore, #tpu.memory_space<semaphore_mem>>) {add = true}
        %dma_wait3A_129 = arith.constant 0 : i32
        %dma_wait3A_130 = tpu.memref_slice %arg7[%mul3A_94, %dma_wait3A_129] : memref<80x128xi32, #tpu.memory_space<vmem>> -> memref<1x128xi32, #tpu.memory_space<vmem>>
        %dma_wait3A_131 = tpu.memref_squeeze %dma_wait3A_130 : memref<1x128xi32, #tpu.memory_space<vmem>> -> memref<128xi32, #tpu.memory_space<vmem>>
        %dma_wait3A_132 = arith.constant 0 : i32
        %dma_wait3A_133 = arith.constant 0 : i32
        %dma_wait3A_134 = tpu.memref_slice %arg12[%dma_wait3A_132, %dma_wait3A_133] : memref<9720x128xf32, #tpu.memory_space<vmem_shared>> -> memref<9720x128xf32, #tpu.memory_space<vmem_shared>>
        tpu.wait_indirect_dma semaphore(%run_scoped3A : memref<!tpu.dma_semaphore, #tpu.memory_space<semaphore_mem>>) src(%arg8 : memref<128x128xf32, #tpu.memory_space<vmem>>) dst(%dma_wait3A_134 : memref<9720x128xf32, #tpu.memory_space<vmem_shared>>)
        tpu.yield
      }) : () -> ()
      %add3A_100 = arith.constant 2 : i32
      %add3A_101 = arith.addi %mul3A_94, %add3A_100 : i32
      %lt3A = arith.constant 80 : i32
      %lt3A_102 = arith.cmpi slt, %add3A_101, %lt3A : i32
      %convert_element_type3A_103 = arith.extui %lt3A_102 : i1 to i32
      %cond3A_104 = arith.constant 0 : i32
      %cond3A_105 = arith.cmpi ne, %convert_element_type3A_103, %cond3A_104 : i32
      scf.if %cond3A_105 {
        %add3A_123 = arith.constant 2 : i32
        %add3A_124 = arith.addi %mul3A_94, %add3A_123 : i32
        %dma_start3A_125 = arith.constant 0 : i32
        %dma_start3A_126 = tpu.memref_slice %arg6[%add3A_124, %dma_start3A_125] : memref<80x128xi32, #tpu.memory_space<vmem>> -> memref<1x128xi32, #tpu.memory_space<vmem>>
        %dma_start3A_127 = tpu.memref_squeeze %dma_start3A_126 : memref<1x128xi32, #tpu.memory_space<vmem>> -> memref<128xi32, #tpu.memory_space<vmem>>
        %dma_start3A_128 = arith.constant 0 : i32
        %dma_start3A_129 = arith.constant 0 : i32
        %dma_start3A_130 = tpu.memref_slice %arg2[%dma_start3A_128, %dma_start3A_129] : memref<10000x128xf32, #tpu.memory_space<hbm>> -> memref<10000x128xf32, #tpu.memory_space<hbm>>
        tpu.enqueue_indirect_dma source(%dma_start3A_130 : memref<10000x128xf32, #tpu.memory_space<hbm>>) target(%arg8 : memref<128x128xf32, #tpu.memory_space<vmem>>) offsets(%dma_start3A_127 : memref<128xi32, #tpu.memory_space<vmem>>) semaphore(%arg10 : memref<!tpu.dma_semaphore, #tpu.memory_space<semaphore_mem>>)
      } else {
      }
      %add3A_106 = arith.constant 1 : i32
      %add3A_107 = arith.addi %mul3A_94, %add3A_106 : i32
      %dma_wait3A_108 = arith.constant 0 : i32
      %dma_wait3A_109 = tpu.memref_slice %arg6[%add3A_107, %dma_wait3A_108] : memref<80x128xi32, #tpu.memory_space<vmem>> -> memref<1x128xi32, #tpu.memory_space<vmem>>
      %dma_wait3A_110 = tpu.memref_squeeze %dma_wait3A_109 : memref<1x128xi32, #tpu.memory_space<vmem>> -> memref<128xi32, #tpu.memory_space<vmem>>
      %dma_wait3A_111 = arith.constant 0 : i32
      %dma_wait3A_112 = arith.constant 0 : i32
      %dma_wait3A_113 = tpu.memref_slice %arg2[%dma_wait3A_111, %dma_wait3A_112] : memref<10000x128xf32, #tpu.memory_space<hbm>> -> memref<10000x128xf32, #tpu.memory_space<hbm>>
      tpu.wait_indirect_dma semaphore(%arg11 : memref<!tpu.dma_semaphore, #tpu.memory_space<semaphore_mem>>) src(%dma_wait3A_113 : memref<10000x128xf32, #tpu.memory_space<hbm>>) dst(%arg9 : memref<128x128xf32, #tpu.memory_space<vmem>>)
      %add3A_114 = arith.constant 1 : i32
      %add3A_115 = arith.addi %mul3A_94, %add3A_114 : i32
      "tpu.region"() ({
        %run_scoped3A = tpu.sem_alloc : memref<!tpu.dma_semaphore, #tpu.memory_space<semaphore_mem>>
        %dma_start3A_123 = arith.constant 0 : i32
        %dma_start3A_124 = tpu.memref_slice %arg7[%add3A_115, %dma_start3A_123] : memref<80x128xi32, #tpu.memory_space<vmem>> -> memref<1x128xi32, #tpu.memory_space<vmem>>
        %dma_start3A_125 = tpu.memref_squeeze %dma_start3A_124 : memref<1x128xi32, #tpu.memory_space<vmem>> -> memref<128xi32, #tpu.memory_space<vmem>>
        %dma_start3A_126 = arith.constant 0 : i32
        %dma_start3A_127 = arith.constant 0 : i32
        %dma_start3A_128 = tpu.memref_slice %arg12[%dma_start3A_126, %dma_start3A_127] : memref<9720x128xf32, #tpu.memory_space<vmem_shared>> -> memref<9720x128xf32, #tpu.memory_space<vmem_shared>>
        tpu.enqueue_indirect_dma source(%arg9 : memref<128x128xf32, #tpu.memory_space<vmem>>) target(%dma_start3A_128 : memref<9720x128xf32, #tpu.memory_space<vmem_shared>>) offsets(%dma_start3A_125 : memref<128xi32, #tpu.memory_space<vmem>>) semaphore(%run_scoped3A : memref<!tpu.dma_semaphore, #tpu.memory_space<semaphore_mem>>) {add = true}
        %dma_wait3A_129 = arith.constant 0 : i32
        %dma_wait3A_130 = tpu.memref_slice %arg7[%add3A_115, %dma_wait3A_129] : memref<80x128xi32, #tpu.memory_space<vmem>> -> memref<1x128xi32, #tpu.memory_space<vmem>>
        %dma_wait3A_131 = tpu.memref_squeeze %dma_wait3A_130 : memref<1x128xi32, #tpu.memory_space<vmem>> -> memref<128xi32, #tpu.memory_space<vmem>>
        %dma_wait3A_132 = arith.constant 0 : i32
        %dma_wait3A_133 = arith.constant 0 : i32
        %dma_wait3A_134 = tpu.memref_slice %arg12[%dma_wait3A_132, %dma_wait3A_133] : memref<9720x128xf32, #tpu.memory_space<vmem_shared>> -> memref<9720x128xf32, #tpu.memory_space<vmem_shared>>
        tpu.wait_indirect_dma semaphore(%run_scoped3A : memref<!tpu.dma_semaphore, #tpu.memory_space<semaphore_mem>>) src(%arg9 : memref<128x128xf32, #tpu.memory_space<vmem>>) dst(%dma_wait3A_134 : memref<9720x128xf32, #tpu.memory_space<vmem_shared>>)
        tpu.yield
      }) : () -> ()
      %add3A_116 = arith.constant 3 : i32
      %add3A_117 = arith.addi %mul3A_94, %add3A_116 : i32
      %lt3A_118 = arith.constant 80 : i32
      %lt3A_119 = arith.cmpi slt, %add3A_117, %lt3A_118 : i32
      %convert_element_type3A_120 = arith.extui %lt3A_119 : i1 to i32
      %cond3A_121 = arith.constant 0 : i32
      %cond3A_122 = arith.cmpi ne, %convert_element_type3A_120, %cond3A_121 : i32
      scf.if %cond3A_122 {
        %add3A_123 = arith.constant 3 : i32
        %add3A_124 = arith.addi %mul3A_94, %add3A_123 : i32
        %dma_start3A_125 = arith.constant 0 : i32
        %dma_start3A_126 = tpu.memref_slice %arg6[%add3A_124, %dma_start3A_125] : memref<80x128xi32, #tpu.memory_space<vmem>> -> memref<1x128xi32, #tpu.memory_space<vmem>>
        %dma_start3A_127 = tpu.memref_squeeze %dma_start3A_126 : memref<1x128xi32, #tpu.memory_space<vmem>> -> memref<128xi32, #tpu.memory_space<vmem>>
        %dma_start3A_128 = arith.constant 0 : i32
        %dma_start3A_129 = arith.constant 0 : i32
        %dma_start3A_130 = tpu.memref_slice %arg2[%dma_start3A_128, %dma_start3A_129] : memref<10000x128xf32, #tpu.memory_space<hbm>> -> memref<10000x128xf32, #tpu.memory_space<hbm>>
        tpu.enqueue_indirect_dma source(%dma_start3A_130 : memref<10000x128xf32, #tpu.memory_space<hbm>>) target(%arg9 : memref<128x128xf32, #tpu.memory_space<vmem>>) offsets(%dma_start3A_127 : memref<128xi32, #tpu.memory_space<vmem>>) semaphore(%arg11 : memref<!tpu.dma_semaphore, #tpu.memory_space<semaphore_mem>>)
      } else {
      }
    }
    %scan3A_44 = arith.constant 40 : i32
    %barrier3A_45 = arith.constant 0 : index
    tpu.barrier barrier_id(%barrier3A_45)
    %mul3A_46 = arith.constant 600 : i32
    %mul3A_47 = arith.muli %arg1, %mul3A_46 : i32
    %multiple_of3A = tpu.assume_multiple %mul3A_47, 8 : i32
    "tpu.region"() ({
      %run_scoped3A = tpu.sem_alloc : memref<!tpu.dma_semaphore, #tpu.memory_space<semaphore_mem>>
      %dma_start3A_92 = arith.constant 0 : i32
      %dma_start3A_93 = tpu.memref_slice %arg5[%arg0, %multiple_of3A, %dma_start3A_92] : memref<2x10000x128xf32, #tpu.memory_space<hbm>> -> memref<1x600x128xf32, #tpu.memory_space<hbm>>
      %dma_start3A_94 = tpu.memref_squeeze %dma_start3A_93 : memref<1x600x128xf32, #tpu.memory_space<hbm>> -> memref<600x128xf32, #tpu.memory_space<hbm>>
      %dma_start3A_95 = arith.constant 0 : i32
      %dma_start3A_96 = tpu.memref_slice %arg12[%multiple_of3A, %dma_start3A_95] : memref<9720x128xf32, #tpu.memory_space<vmem_shared>> -> memref<600x128xf32, #tpu.memory_space<vmem_shared>>
      tpu.enqueue_dma source(%dma_start3A_96 : memref<600x128xf32, #tpu.memory_space<vmem_shared>>) target(%dma_start3A_94 : memref<600x128xf32, #tpu.memory_space<hbm>>) target_semaphore(%run_scoped3A : memref<!tpu.dma_semaphore, #tpu.memory_space<semaphore_mem>>)
      %dma_wait3A = arith.constant 0 : i32
      %dma_wait3A_97 = tpu.memref_slice %arg5[%arg0, %multiple_of3A, %dma_wait3A] : memref<2x10000x128xf32, #tpu.memory_space<hbm>> -> memref<1x600x128xf32, #tpu.memory_space<hbm>>
      %dma_wait3A_98 = tpu.memref_squeeze %dma_wait3A_97 : memref<1x600x128xf32, #tpu.memory_space<hbm>> -> memref<600x128xf32, #tpu.memory_space<hbm>>
      %dma_wait3A_99 = arith.constant 0 : i32
      %dma_wait3A_100 = tpu.memref_slice %arg12[%multiple_of3A, %dma_wait3A_99] : memref<9720x128xf32, #tpu.memory_space<vmem_shared>> -> memref<600x128xf32, #tpu.memory_space<vmem_shared>>
      tpu.wait_dma2 semaphore(%run_scoped3A : memref<!tpu.dma_semaphore, #tpu.memory_space<semaphore_mem>>) src(%dma_wait3A_100 : memref<600x128xf32, #tpu.memory_space<vmem_shared>>) dst(%dma_wait3A_98 : memref<600x128xf32, #tpu.memory_space<hbm>>)
      tpu.yield
    }) : () -> ()
    %eq3A_48 = arith.constant 15 : i32
    %eq3A_49 = arith.cmpi eq, %arg1, %eq3A_48 : i32
    %convert_element_type3A_50 = arith.extui %eq3A_49 : i1 to i32
    %cond3A_51 = arith.constant 0 : i32
    %cond3A_52 = arith.cmpi ne, %convert_element_type3A_50, %cond3A_51 : i32
    scf.if %cond3A_52 {
      "tpu.region"() ({
        %run_scoped3A = tpu.sem_alloc : memref<!tpu.dma_semaphore, #tpu.memory_space<semaphore_mem>>
        %dma_start3A_92 = arith.constant 9600 : i32
        %dma_start3A_93 = arith.constant 0 : i32
        %dma_start3A_94 = tpu.memref_slice %arg5[%arg0, %dma_start3A_92, %dma_start3A_93] : memref<2x10000x128xf32, #tpu.memory_space<hbm>> -> memref<1x112x128xf32, #tpu.memory_space<hbm>>
        %dma_start3A_95 = tpu.memref_squeeze %dma_start3A_94 : memref<1x112x128xf32, #tpu.memory_space<hbm>> -> memref<112x128xf32, #tpu.memory_space<hbm>>
        %dma_start3A_96 = arith.constant 9600 : i32
        %dma_start3A_97 = arith.constant 0 : i32
        %dma_start3A_98 = tpu.memref_slice %arg12[%dma_start3A_96, %dma_start3A_97] : memref<9720x128xf32, #tpu.memory_space<vmem_shared>> -> memref<112x128xf32, #tpu.memory_space<vmem_shared>>
        tpu.enqueue_dma source(%dma_start3A_98 : memref<112x128xf32, #tpu.memory_space<vmem_shared>>) target(%dma_start3A_95 : memref<112x128xf32, #tpu.memory_space<hbm>>) target_semaphore(%run_scoped3A : memref<!tpu.dma_semaphore, #tpu.memory_space<semaphore_mem>>)
        %dma_wait3A = arith.constant 9600 : i32
        %dma_wait3A_99 = arith.constant 0 : i32
        %dma_wait3A_100 = tpu.memref_slice %arg5[%arg0, %dma_wait3A, %dma_wait3A_99] : memref<2x10000x128xf32, #tpu.memory_space<hbm>> -> memref<1x112x128xf32, #tpu.memory_space<hbm>>
        %dma_wait3A_101 = tpu.memref_squeeze %dma_wait3A_100 : memref<1x112x128xf32, #tpu.memory_space<hbm>> -> memref<112x128xf32, #tpu.memory_space<hbm>>
        %dma_wait3A_102 = arith.constant 9600 : i32
        %dma_wait3A_103 = arith.constant 0 : i32
        %dma_wait3A_104 = tpu.memref_slice %arg12[%dma_wait3A_102, %dma_wait3A_103] : memref<9720x128xf32, #tpu.memory_space<vmem_shared>> -> memref<112x128xf32, #tpu.memory_space<vmem_shared>>
        tpu.wait_dma2 semaphore(%run_scoped3A : memref<!tpu.dma_semaphore, #tpu.memory_space<semaphore_mem>>) src(%dma_wait3A_104 : memref<112x128xf32, #tpu.memory_space<vmem_shared>>) dst(%dma_wait3A_101 : memref<112x128xf32, #tpu.memory_space<hbm>>)
        tpu.yield
      }) : () -> ()
    } else {
    }
    "tpu.region"() ({
      %run_scoped3A = tpu.sem_alloc : memref<!tpu.dma_semaphore, #tpu.memory_space<semaphore_mem>>
      %dma_start3A_92 = arith.constant 0 : i32
      %dma_start3A_93 = arith.constant 0 : i32
      %dma_start3A_94 = tpu.memref_slice %arg4[%add3A, %dma_start3A_92, %dma_start3A_93] : memref<32x80x128xi32, #tpu.memory_space<hbm>> -> memref<1x80x128xi32, #tpu.memory_space<hbm>>
      %dma_start3A_95 = tpu.memref_squeeze %dma_start3A_94 : memref<1x80x128xi32, #tpu.memory_space<hbm>> -> memref<80x128xi32, #tpu.memory_space<hbm>>
      %dma_start3A_96 = arith.constant 0 : i32
      %dma_start3A_97 = arith.constant 0 : i32
      %dma_start3A_98 = tpu.memref_slice %arg4[%add3A, %dma_start3A_96, %dma_start3A_97] : memref<32x80x128xi32, #tpu.memory_space<hbm>> -> memref<1x80x128xi32, #tpu.memory_space<hbm>>
      %dma_start3A_99 = tpu.memref_squeeze %dma_start3A_98 : memref<1x80x128xi32, #tpu.memory_space<hbm>> -> memref<80x128xi32, #tpu.memory_space<hbm>>
      tpu.enqueue_dma source(%dma_start3A_99 : memref<80x128xi32, #tpu.memory_space<hbm>>) target(%arg7 : memref<80x128xi32, #tpu.memory_space<vmem>>) target_semaphore(%run_scoped3A : memref<!tpu.dma_semaphore, #tpu.memory_space<semaphore_mem>>)
      %dma_wait3A = arith.constant 0 : i32
      %dma_wait3A_100 = arith.constant 0 : i32
      %dma_wait3A_101 = tpu.memref_slice %arg4[%add3A, %dma_wait3A, %dma_wait3A_100] : memref<32x80x128xi32, #tpu.memory_space<hbm>> -> memref<1x80x128xi32, #tpu.memory_space<hbm>>
      %dma_wait3A_102 = tpu.memref_squeeze %dma_wait3A_101 : memref<1x80x128xi32, #tpu.memory_space<hbm>> -> memref<80x128xi32, #tpu.memory_space<hbm>>
      %dma_wait3A_103 = arith.constant 0 : i32
      %dma_wait3A_104 = arith.constant 0 : i32
      %dma_wait3A_105 = tpu.memref_slice %arg4[%add3A, %dma_wait3A_103, %dma_wait3A_104] : memref<32x80x128xi32, #tpu.memory_space<hbm>> -> memref<1x80x128xi32, #tpu.memory_space<hbm>>
      %dma_wait3A_106 = tpu.memref_squeeze %dma_wait3A_105 : memref<1x80x128xi32, #tpu.memory_space<hbm>> -> memref<80x128xi32, #tpu.memory_space<hbm>>
      tpu.wait_dma2 semaphore(%run_scoped3A : memref<!tpu.dma_semaphore, #tpu.memory_space<semaphore_mem>>) src(%dma_wait3A_106 : memref<80x128xi32, #tpu.memory_space<hbm>>) dst(%arg7 : memref<80x128xi32, #tpu.memory_space<vmem>>)
      tpu.yield
    }) : () -> ()
    %scan3A_53 = arith.constant 0 : i32
    %scan3A_54 = arith.constant 0 : i32
    %scan3A_55 = arith.constant 80 : i32
    %scan3A_56 = arith.addi %scan3A_54, %scan3A_55 : i32
    %scan3A_57 = arith.constant 1 : i32
    scf.for %scan3A_92 = %scan3A_54 to %scan3A_56 step %scan3A_57  : i32 {
      %get3A = arith.index_cast %scan3A_92 : i32 to index
      %get3A_93 = arith.constant 0 : index
      %get3A_94 = tpu.vector_load %arg7[%get3A, %get3A_93] {strides = array<i32>} : memref<80x128xi32, #tpu.memory_space<vmem>>, vector<1x16xi32>,
      %get3A_95 = vector.shape_cast %get3A_94 : vector<1x16xi32> to vector<16xi32>
      %ge3A = arith.constant 9712 : i32
      %ge3A_96 = vector.broadcast %ge3A : i32 to vector<16xi32>
      %ge3A_97 = arith.cmpi sge, %get3A_95, %ge3A_96 : vector<16xi32>
      %lt3A = arith.constant 10000 : i32
      %lt3A_98 = vector.broadcast %lt3A : i32 to vector<16xi32>
      %lt3A_99 = arith.cmpi slt, %get3A_95, %lt3A_98 : vector<16xi32>
      %and3A = arith.andi %ge3A_97, %lt3A_99 : vector<16xi1>
      %sub3A = arith.constant 9712 : i32
      %sub3A_100 = vector.broadcast %sub3A : i32 to vector<16xi32>
      %sub3A_101 = arith.subi %get3A_95, %sub3A_100 : vector<16xi32>
      %and3A_102 = arith.constant 4095 : i32
      %and3A_103 = vector.broadcast %and3A_102 : i32 to vector<16xi32>
      %and3A_104 = arith.andi %get3A_95, %and3A_103 : vector<16xi32>
      %add3A_105 = arith.constant 296 : i32
      %add3A_106 = vector.broadcast %add3A_105 : i32 to vector<16xi32>
      %add3A_107 = arith.addi %add3A_106, %and3A_104 : vector<16xi32>
      %select_n3A = arith.select %and3A, %sub3A_101, %add3A_107 : vector<16xi1>, vector<16xi32>
      %swap3A = arith.index_cast %scan3A_92 : i32 to index
      %swap3A_108 = arith.constant 0 : index
      %swap3A_109 = tpu.vector_load %arg7[%swap3A, %swap3A_108] {strides = array<i32>} : memref<80x128xi32, #tpu.memory_space<vmem>>, vector<1x16xi32>,
      %swap3A_110 = vector.shape_cast %swap3A_109 : vector<1x16xi32> to vector<16xi32>
      %swap3A_111 = vector.shape_cast %select_n3A : vector<16xi32> to vector<1x16xi32>
      tpu.vector_store %arg7[%swap3A, %swap3A_108], %swap3A_111 {strides = array<i32>} : memref<80x128xi32, #tpu.memory_space<vmem>>, vector<1x16xi32>,
      %get3A_112 = arith.index_cast %scan3A_92 : i32 to index
      %get3A_113 = arith.constant 16 : index
      %get3A_114 = tpu.vector_load %arg7[%get3A_112, %get3A_113] {strides = array<i32>} : memref<80x128xi32, #tpu.memory_space<vmem>>, vector<1x16xi32>,
      %get3A_115 = vector.shape_cast %get3A_114 : vector<1x16xi32> to vector<16xi32>
      %ge3A_116 = arith.constant 9712 : i32
      %ge3A_117 = vector.broadcast %ge3A_116 : i32 to vector<16xi32>
      %ge3A_118 = arith.cmpi sge, %get3A_115, %ge3A_117 : vector<16xi32>
      %lt3A_119 = arith.constant 10000 : i32
      %lt3A_120 = vector.broadcast %lt3A_119 : i32 to vector<16xi32>
      %lt3A_121 = arith.cmpi slt, %get3A_115, %lt3A_120 : vector<16xi32>
      %and3A_122 = arith.andi %ge3A_118, %lt3A_121 : vector<16xi1>
      %sub3A_123 = arith.constant 9712 : i32
      %sub3A_124 = vector.broadcast %sub3A_123 : i32 to vector<16xi32>
      %sub3A_125 = arith.subi %get3A_115, %sub3A_124 : vector<16xi32>
      %and3A_126 = arith.constant 4095 : i32
      %and3A_127 = vector.broadcast %and3A_126 : i32 to vector<16xi32>
      %and3A_128 = arith.andi %get3A_115, %and3A_127 : vector<16xi32>
      %add3A_129 = arith.constant 296 : i32
      %add3A_130 = vector.broadcast %add3A_129 : i32 to vector<16xi32>
      %add3A_131 = arith.addi %add3A_130, %and3A_128 : vector<16xi32>
      %select_n3A_132 = arith.select %and3A_122, %sub3A_125, %add3A_131 : vector<16xi1>, vector<16xi32>
      %swap3A_133 = arith.index_cast %scan3A_92 : i32 to index
      %swap3A_134 = arith.constant 16 : index
      %swap3A_135 = tpu.vector_load %arg7[%swap3A_133, %swap3A_134] {strides = array<i32>} : memref<80x128xi32, #tpu.memory_space<vmem>>, vector<1x16xi32>,
      %swap3A_136 = vector.shape_cast %swap3A_135 : vector<1x16xi32> to vector<16xi32>
      %swap3A_137 = vector.shape_cast %select_n3A_132 : vector<16xi32> to vector<1x16xi32>
      tpu.vector_store %arg7[%swap3A_133, %swap3A_134], %swap3A_137 {strides = array<i32>} : memref<80x128xi32, #tpu.memory_space<vmem>>, vector<1x16xi32>,
      %get3A_138 = arith.index_cast %scan3A_92 : i32 to index
      %get3A_139 = arith.constant 32 : index
      %get3A_140 = tpu.vector_load %arg7[%get3A_138, %get3A_139] {strides = array<i32>} : memref<80x128xi32, #tpu.memory_space<vmem>>, vector<1x16xi32>,
      %get3A_141 = vector.shape_cast %get3A_140 : vector<1x16xi32> to vector<16xi32>
      %ge3A_142 = arith.constant 9712 : i32
      %ge3A_143 = vector.broadcast %ge3A_142 : i32 to vector<16xi32>
      %ge3A_144 = arith.cmpi sge, %get3A_141, %ge3A_143 : vector<16xi32>
      %lt3A_145 = arith.constant 10000 : i32
      %lt3A_146 = vector.broadcast %lt3A_145 : i32 to vector<16xi32>
      %lt3A_147 = arith.cmpi slt, %get3A_141, %lt3A_146 : vector<16xi32>
      %and3A_148 = arith.andi %ge3A_144, %lt3A_147 : vector<16xi1>
      %sub3A_149 = arith.constant 9712 : i32
      %sub3A_150 = vector.broadcast %sub3A_149 : i32 to vector<16xi32>
      %sub3A_151 = arith.subi %get3A_141, %sub3A_150 : vector<16xi32>
      %and3A_152 = arith.constant 4095 : i32
      %and3A_153 = vector.broadcast %and3A_152 : i32 to vector<16xi32>
      %and3A_154 = arith.andi %get3A_141, %and3A_153 : vector<16xi32>
      %add3A_155 = arith.constant 296 : i32
      %add3A_156 = vector.broadcast %add3A_155 : i32 to vector<16xi32>
      %add3A_157 = arith.addi %add3A_156, %and3A_154 : vector<16xi32>
      %select_n3A_158 = arith.select %and3A_148, %sub3A_151, %add3A_157 : vector<16xi1>, vector<16xi32>
      %swap3A_159 = arith.index_cast %scan3A_92 : i32 to index
      %swap3A_160 = arith.constant 32 : index
      %swap3A_161 = tpu.vector_load %arg7[%swap3A_159, %swap3A_160] {strides = array<i32>} : memref<80x128xi32, #tpu.memory_space<vmem>>, vector<1x16xi32>,
      %swap3A_162 = vector.shape_cast %swap3A_161 : vector<1x16xi32> to vector<16xi32>
      %swap3A_163 = vector.shape_cast %select_n3A_158 : vector<16xi32> to vector<1x16xi32>
      tpu.vector_store %arg7[%swap3A_159, %swap3A_160], %swap3A_163 {strides = array<i32>} : memref<80x128xi32, #tpu.memory_space<vmem>>, vector<1x16xi32>,
      %get3A_164 = arith.index_cast %scan3A_92 : i32 to index
      %get3A_165 = arith.constant 48 : index
      %get3A_166 = tpu.vector_load %arg7[%get3A_164, %get3A_165] {strides = array<i32>} : memref<80x128xi32, #tpu.memory_space<vmem>>, vector<1x16xi32>,
      %get3A_167 = vector.shape_cast %get3A_166 : vector<1x16xi32> to vector<16xi32>
      %ge3A_168 = arith.constant 9712 : i32
      %ge3A_169 = vector.broadcast %ge3A_168 : i32 to vector<16xi32>
      %ge3A_170 = arith.cmpi sge, %get3A_167, %ge3A_169 : vector<16xi32>
      %lt3A_171 = arith.constant 10000 : i32
      %lt3A_172 = vector.broadcast %lt3A_171 : i32 to vector<16xi32>
      %lt3A_173 = arith.cmpi slt, %get3A_167, %lt3A_172 : vector<16xi32>
      %and3A_174 = arith.andi %ge3A_170, %lt3A_173 : vector<16xi1>
      %sub3A_175 = arith.constant 9712 : i32
      %sub3A_176 = vector.broadcast %sub3A_175 : i32 to vector<16xi32>
      %sub3A_177 = arith.subi %get3A_167, %sub3A_176 : vector<16xi32>
      %and3A_178 = arith.constant 4095 : i32
      %and3A_179 = vector.broadcast %and3A_178 : i32 to vector<16xi32>
      %and3A_180 = arith.andi %get3A_167, %and3A_179 : vector<16xi32>
      %add3A_181 = arith.constant 296 : i32
      %add3A_182 = vector.broadcast %add3A_181 : i32 to vector<16xi32>
      %add3A_183 = arith.addi %add3A_182, %and3A_180 : vector<16xi32>
      %select_n3A_184 = arith.select %and3A_174, %sub3A_177, %add3A_183 : vector<16xi1>, vector<16xi32>
      %swap3A_185 = arith.index_cast %scan3A_92 : i32 to index
      %swap3A_186 = arith.constant 48 : index
      %swap3A_187 = tpu.vector_load %arg7[%swap3A_185, %swap3A_186] {strides = array<i32>} : memref<80x128xi32, #tpu.memory_space<vmem>>, vector<1x16xi32>,
      %swap3A_188 = vector.shape_cast %swap3A_187 : vector<1x16xi32> to vector<16xi32>
      %swap3A_189 = vector.shape_cast %select_n3A_184 : vector<16xi32> to vector<1x16xi32>
      tpu.vector_store %arg7[%swap3A_185, %swap3A_186], %swap3A_189 {strides = array<i32>} : memref<80x128xi32, #tpu.memory_space<vmem>>, vector<1x16xi32>,
      %get3A_190 = arith.index_cast %scan3A_92 : i32 to index
      %get3A_191 = arith.constant 64 : index
      %get3A_192 = tpu.vector_load %arg7[%get3A_190, %get3A_191] {strides = array<i32>} : memref<80x128xi32, #tpu.memory_space<vmem>>, vector<1x16xi32>,
      %get3A_193 = vector.shape_cast %get3A_192 : vector<1x16xi32> to vector<16xi32>
      %ge3A_194 = arith.constant 9712 : i32
      %ge3A_195 = vector.broadcast %ge3A_194 : i32 to vector<16xi32>
      %ge3A_196 = arith.cmpi sge, %get3A_193, %ge3A_195 : vector<16xi32>
      %lt3A_197 = arith.constant 10000 : i32
      %lt3A_198 = vector.broadcast %lt3A_197 : i32 to vector<16xi32>
      %lt3A_199 = arith.cmpi slt, %get3A_193, %lt3A_198 : vector<16xi32>
      %and3A_200 = arith.andi %ge3A_196, %lt3A_199 : vector<16xi1>
      %sub3A_201 = arith.constant 9712 : i32
      %sub3A_202 = vector.broadcast %sub3A_201 : i32 to vector<16xi32>
      %sub3A_203 = arith.subi %get3A_193, %sub3A_202 : vector<16xi32>
      %and3A_204 = arith.constant 4095 : i32
      %and3A_205 = vector.broadcast %and3A_204 : i32 to vector<16xi32>
      %and3A_206 = arith.andi %get3A_193, %and3A_205 : vector<16xi32>
      %add3A_207 = arith.constant 296 : i32
      %add3A_208 = vector.broadcast %add3A_207 : i32 to vector<16xi32>
      %add3A_209 = arith.addi %add3A_208, %and3A_206 : vector<16xi32>
      %select_n3A_210 = arith.select %and3A_200, %sub3A_203, %add3A_209 : vector<16xi1>, vector<16xi32>
      %swap3A_211 = arith.index_cast %scan3A_92 : i32 to index
      %swap3A_212 = arith.constant 64 : index
      %swap3A_213 = tpu.vector_load %arg7[%swap3A_211, %swap3A_212] {strides = array<i32>} : memref<80x128xi32, #tpu.memory_space<vmem>>, vector<1x16xi32>,
      %swap3A_214 = vector.shape_cast %swap3A_213 : vector<1x16xi32> to vector<16xi32>
      %swap3A_215 = vector.shape_cast %select_n3A_210 : vector<16xi32> to vector<1x16xi32>
      tpu.vector_store %arg7[%swap3A_211, %swap3A_212], %swap3A_215 {strides = array<i32>} : memref<80x128xi32, #tpu.memory_space<vmem>>, vector<1x16xi32>,
      %get3A_216 = arith.index_cast %scan3A_92 : i32 to index
      %get3A_217 = arith.constant 80 : index
      %get3A_218 = tpu.vector_load %arg7[%get3A_216, %get3A_217] {strides = array<i32>} : memref<80x128xi32, #tpu.memory_space<vmem>>, vector<1x16xi32>,
      %get3A_219 = vector.shape_cast %get3A_218 : vector<1x16xi32> to vector<16xi32>
      %ge3A_220 = arith.constant 9712 : i32
      %ge3A_221 = vector.broadcast %ge3A_220 : i32 to vector<16xi32>
      %ge3A_222 = arith.cmpi sge, %get3A_219, %ge3A_221 : vector<16xi32>
      %lt3A_223 = arith.constant 10000 : i32
      %lt3A_224 = vector.broadcast %lt3A_223 : i32 to vector<16xi32>
      %lt3A_225 = arith.cmpi slt, %get3A_219, %lt3A_224 : vector<16xi32>
      %and3A_226 = arith.andi %ge3A_222, %lt3A_225 : vector<16xi1>
      %sub3A_227 = arith.constant 9712 : i32
      %sub3A_228 = vector.broadcast %sub3A_227 : i32 to vector<16xi32>
      %sub3A_229 = arith.subi %get3A_219, %sub3A_228 : vector<16xi32>
      %and3A_230 = arith.constant 4095 : i32
      %and3A_231 = vector.broadcast %and3A_230 : i32 to vector<16xi32>
      %and3A_232 = arith.andi %get3A_219, %and3A_231 : vector<16xi32>
      %add3A_233 = arith.constant 296 : i32
      %add3A_234 = vector.broadcast %add3A_233 : i32 to vector<16xi32>
      %add3A_235 = arith.addi %add3A_234, %and3A_232 : vector<16xi32>
      %select_n3A_236 = arith.select %and3A_226, %sub3A_229, %add3A_235 : vector<16xi1>, vector<16xi32>
      %swap3A_237 = arith.index_cast %scan3A_92 : i32 to index
      %swap3A_238 = arith.constant 80 : index
      %swap3A_239 = tpu.vector_load %arg7[%swap3A_237, %swap3A_238] {strides = array<i32>} : memref<80x128xi32, #tpu.memory_space<vmem>>, vector<1x16xi32>,
      %swap3A_240 = vector.shape_cast %swap3A_239 : vector<1x16xi32> to vector<16xi32>
      %swap3A_241 = vector.shape_cast %select_n3A_236 : vector<16xi32> to vector<1x16xi32>
      tpu.vector_store %arg7[%swap3A_237, %swap3A_238], %swap3A_241 {strides = array<i32>} : memref<80x128xi32, #tpu.memory_space<vmem>>, vector<1x16xi32>,
      %get3A_242 = arith.index_cast %scan3A_92 : i32 to index
      %get3A_243 = arith.constant 96 : index
      %get3A_244 = tpu.vector_load %arg7[%get3A_242, %get3A_243] {strides = array<i32>} : memref<80x128xi32, #tpu.memory_space<vmem>>, vector<1x16xi32>,
      %get3A_245 = vector.shape_cast %get3A_244 : vector<1x16xi32> to vector<16xi32>
      %ge3A_246 = arith.constant 9712 : i32
      %ge3A_247 = vector.broadcast %ge3A_246 : i32 to vector<16xi32>
      %ge3A_248 = arith.cmpi sge, %get3A_245, %ge3A_247 : vector<16xi32>
      %lt3A_249 = arith.constant 10000 : i32
      %lt3A_250 = vector.broadcast %lt3A_249 : i32 to vector<16xi32>
      %lt3A_251 = arith.cmpi slt, %get3A_245, %lt3A_250 : vector<16xi32>
      %and3A_252 = arith.andi %ge3A_248, %lt3A_251 : vector<16xi1>
      %sub3A_253 = arith.constant 9712 : i32
      %sub3A_254 = vector.broadcast %sub3A_253 : i32 to vector<16xi32>
      %sub3A_255 = arith.subi %get3A_245, %sub3A_254 : vector<16xi32>
      %and3A_256 = arith.constant 4095 : i32
      %and3A_257 = vector.broadcast %and3A_256 : i32 to vector<16xi32>
      %and3A_258 = arith.andi %get3A_245, %and3A_257 : vector<16xi32>
      %add3A_259 = arith.constant 296 : i32
      %add3A_260 = vector.broadcast %add3A_259 : i32 to vector<16xi32>
      %add3A_261 = arith.addi %add3A_260, %and3A_258 : vector<16xi32>
      %select_n3A_262 = arith.select %and3A_252, %sub3A_255, %add3A_261 : vector<16xi1>, vector<16xi32>
      %swap3A_263 = arith.index_cast %scan3A_92 : i32 to index
      %swap3A_264 = arith.constant 96 : index
      %swap3A_265 = tpu.vector_load %arg7[%swap3A_263, %swap3A_264] {strides = array<i32>} : memref<80x128xi32, #tpu.memory_space<vmem>>, vector<1x16xi32>,
      %swap3A_266 = vector.shape_cast %swap3A_265 : vector<1x16xi32> to vector<16xi32>
      %swap3A_267 = vector.shape_cast %select_n3A_262 : vector<16xi32> to vector<1x16xi32>
      tpu.vector_store %arg7[%swap3A_263, %swap3A_264], %swap3A_267 {strides = array<i32>} : memref<80x128xi32, #tpu.memory_space<vmem>>, vector<1x16xi32>,
      %get3A_268 = arith.index_cast %scan3A_92 : i32 to index
      %get3A_269 = arith.constant 112 : index
      %get3A_270 = tpu.vector_load %arg7[%get3A_268, %get3A_269] {strides = array<i32>} : memref<80x128xi32, #tpu.memory_space<vmem>>, vector<1x16xi32>,
      %get3A_271 = vector.shape_cast %get3A_270 : vector<1x16xi32> to vector<16xi32>
      %ge3A_272 = arith.constant 9712 : i32
      %ge3A_273 = vector.broadcast %ge3A_272 : i32 to vector<16xi32>
      %ge3A_274 = arith.cmpi sge, %get3A_271, %ge3A_273 : vector<16xi32>
      %lt3A_275 = arith.constant 10000 : i32
      %lt3A_276 = vector.broadcast %lt3A_275 : i32 to vector<16xi32>
      %lt3A_277 = arith.cmpi slt, %get3A_271, %lt3A_276 : vector<16xi32>
      %and3A_278 = arith.andi %ge3A_274, %lt3A_277 : vector<16xi1>
      %sub3A_279 = arith.constant 9712 : i32
      %sub3A_280 = vector.broadcast %sub3A_279 : i32 to vector<16xi32>
      %sub3A_281 = arith.subi %get3A_271, %sub3A_280 : vector<16xi32>
      %and3A_282 = arith.constant 4095 : i32
      %and3A_283 = vector.broadcast %and3A_282 : i32 to vector<16xi32>
      %and3A_284 = arith.andi %get3A_271, %and3A_283 : vector<16xi32>
      %add3A_285 = arith.constant 296 : i32
      %add3A_286 = vector.broadcast %add3A_285 : i32 to vector<16xi32>
      %add3A_287 = arith.addi %add3A_286, %and3A_284 : vector<16xi32>
      %select_n3A_288 = arith.select %and3A_278, %sub3A_281, %add3A_287 : vector<16xi1>, vector<16xi32>
      %swap3A_289 = arith.index_cast %scan3A_92 : i32 to index
      %swap3A_290 = arith.constant 112 : index
      %swap3A_291 = tpu.vector_load %arg7[%swap3A_289, %swap3A_290] {strides = array<i32>} : memref<80x128xi32, #tpu.memory_space<vmem>>, vector<1x16xi32>,
      %swap3A_292 = vector.shape_cast %swap3A_291 : vector<1x16xi32> to vector<16xi32>
      %swap3A_293 = vector.shape_cast %select_n3A_288 : vector<16xi32> to vector<1x16xi32>
      tpu.vector_store %arg7[%swap3A_289, %swap3A_290], %swap3A_293 {strides = array<i32>} : memref<80x128xi32, #tpu.memory_space<vmem>>, vector<1x16xi32>,
    }
    %scan3A_58 = arith.constant 80 : i32
    %barrier3A_59 = arith.constant 0 : index
    tpu.barrier barrier_id(%barrier3A_59)
    %eq3A_60 = arith.constant 0 : i32
    %eq3A_61 = arith.cmpi eq, %arg1, %eq3A_60 : i32
    %convert_element_type3A_62 = arith.extui %eq3A_61 : i1 to i32
    %cond3A_63 = arith.constant 0 : i32
    %cond3A_64 = arith.cmpi ne, %convert_element_type3A_62, %cond3A_63 : i32
    scf.if %cond3A_64 {
      %scan3A_92 = arith.constant 0 : i32
      %scan3A_93 = arith.constant 0 : i32
      %scan3A_94 = arith.constant 128 : i32
      %scan3A_95 = arith.addi %scan3A_93, %scan3A_94 : i32
      %scan3A_96 = arith.constant 1 : i32
      scf.for %scan3A_98 = %scan3A_93 to %scan3A_95 step %scan3A_96  : i32 {
        %broadcast_in_dim3A = arith.constant 0.000000e+00 : f32
        %broadcast_in_dim3A_99 = vector.broadcast %broadcast_in_dim3A : f32 to vector<16xf32>
        %swap3A = arith.index_cast %scan3A_98 : i32 to index
        %swap3A_100 = arith.constant 0 : index
        %swap3A_101 = tpu.vector_load %arg8[%swap3A, %swap3A_100] {strides = array<i32>} : memref<128x128xf32, #tpu.memory_space<vmem>>, vector<1x16xf32>,
        %swap3A_102 = vector.shape_cast %swap3A_101 : vector<1x16xf32> to vector<16xf32>
        %swap3A_103 = vector.shape_cast %broadcast_in_dim3A_99 : vector<16xf32> to vector<1x16xf32>
        tpu.vector_store %arg8[%swap3A, %swap3A_100], %swap3A_103 {strides = array<i32>} : memref<128x128xf32, #tpu.memory_space<vmem>>, vector<1x16xf32>,
        %broadcast_in_dim3A_104 = arith.constant 0.000000e+00 : f32
        %broadcast_in_dim3A_105 = vector.broadcast %broadcast_in_dim3A_104 : f32 to vector<16xf32>
        %swap3A_106 = arith.index_cast %scan3A_98 : i32 to index
        %swap3A_107 = arith.constant 16 : index
        %swap3A_108 = tpu.vector_load %arg8[%swap3A_106, %swap3A_107] {strides = array<i32>} : memref<128x128xf32, #tpu.memory_space<vmem>>, vector<1x16xf32>,
        %swap3A_109 = vector.shape_cast %swap3A_108 : vector<1x16xf32> to vector<16xf32>
        %swap3A_110 = vector.shape_cast %broadcast_in_dim3A_105 : vector<16xf32> to vector<1x16xf32>
        tpu.vector_store %arg8[%swap3A_106, %swap3A_107], %swap3A_110 {strides = array<i32>} : memref<128x128xf32, #tpu.memory_space<vmem>>, vector<1x16xf32>,
        %broadcast_in_dim3A_111 = arith.constant 0.000000e+00 : f32
        %broadcast_in_dim3A_112 = vector.broadcast %broadcast_in_dim3A_111 : f32 to vector<16xf32>
        %swap3A_113 = arith.index_cast %scan3A_98 : i32 to index
        %swap3A_114 = arith.constant 32 : index
        %swap3A_115 = tpu.vector_load %arg8[%swap3A_113, %swap3A_114] {strides = array<i32>} : memref<128x128xf32, #tpu.memory_space<vmem>>, vector<1x16xf32>,
        %swap3A_116 = vector.shape_cast %swap3A_115 : vector<1x16xf32> to vector<16xf32>
        %swap3A_117 = vector.shape_cast %broadcast_in_dim3A_112 : vector<16xf32> to vector<1x16xf32>
        tpu.vector_store %arg8[%swap3A_113, %swap3A_114], %swap3A_117 {strides = array<i32>} : memref<128x128xf32, #tpu.memory_space<vmem>>, vector<1x16xf32>,
        %broadcast_in_dim3A_118 = arith.constant 0.000000e+00 : f32
        %broadcast_in_dim3A_119 = vector.broadcast %broadcast_in_dim3A_118 : f32 to vector<16xf32>
        %swap3A_120 = arith.index_cast %scan3A_98 : i32 to index
        %swap3A_121 = arith.constant 48 : index
        %swap3A_122 = tpu.vector_load %arg8[%swap3A_120, %swap3A_121] {strides = array<i32>} : memref<128x128xf32, #tpu.memory_space<vmem>>, vector<1x16xf32>,
        %swap3A_123 = vector.shape_cast %swap3A_122 : vector<1x16xf32> to vector<16xf32>
        %swap3A_124 = vector.shape_cast %broadcast_in_dim3A_119 : vector<16xf32> to vector<1x16xf32>
        tpu.vector_store %arg8[%swap3A_120, %swap3A_121], %swap3A_124 {strides = array<i32>} : memref<128x128xf32, #tpu.memory_space<vmem>>, vector<1x16xf32>,
        %broadcast_in_dim3A_125 = arith.constant 0.000000e+00 : f32
        %broadcast_in_dim3A_126 = vector.broadcast %broadcast_in_dim3A_125 : f32 to vector<16xf32>
        %swap3A_127 = arith.index_cast %scan3A_98 : i32 to index
        %swap3A_128 = arith.constant 64 : index
        %swap3A_129 = tpu.vector_load %arg8[%swap3A_127, %swap3A_128] {strides = array<i32>} : memref<128x128xf32, #tpu.memory_space<vmem>>, vector<1x16xf32>,
        %swap3A_130 = vector.shape_cast %swap3A_129 : vector<1x16xf32> to vector<16xf32>
        %swap3A_131 = vector.shape_cast %broadcast_in_dim3A_126 : vector<16xf32> to vector<1x16xf32>
        tpu.vector_store %arg8[%swap3A_127, %swap3A_128], %swap3A_131 {strides = array<i32>} : memref<128x128xf32, #tpu.memory_space<vmem>>, vector<1x16xf32>,
        %broadcast_in_dim3A_132 = arith.constant 0.000000e+00 : f32
        %broadcast_in_dim3A_133 = vector.broadcast %broadcast_in_dim3A_132 : f32 to vector<16xf32>
        %swap3A_134 = arith.index_cast %scan3A_98 : i32 to index
        %swap3A_135 = arith.constant 80 : index
        %swap3A_136 = tpu.vector_load %arg8[%swap3A_134, %swap3A_135] {strides = array<i32>} : memref<128x128xf32, #tpu.memory_space<vmem>>, vector<1x16xf32>,
        %swap3A_137 = vector.shape_cast %swap3A_136 : vector<1x16xf32> to vector<16xf32>
        %swap3A_138 = vector.shape_cast %broadcast_in_dim3A_133 : vector<16xf32> to vector<1x16xf32>
        tpu.vector_store %arg8[%swap3A_134, %swap3A_135], %swap3A_138 {strides = array<i32>} : memref<128x128xf32, #tpu.memory_space<vmem>>, vector<1x16xf32>,
        %broadcast_in_dim3A_139 = arith.constant 0.000000e+00 : f32
        %broadcast_in_dim3A_140 = vector.broadcast %broadcast_in_dim3A_139 : f32 to vector<16xf32>
        %swap3A_141 = arith.index_cast %scan3A_98 : i32 to index
        %swap3A_142 = arith.constant 96 : index
        %swap3A_143 = tpu.vector_load %arg8[%swap3A_141, %swap3A_142] {strides = array<i32>} : memref<128x128xf32, #tpu.memory_space<vmem>>, vector<1x16xf32>,
        %swap3A_144 = vector.shape_cast %swap3A_143 : vector<1x16xf32> to vector<16xf32>
        %swap3A_145 = vector.shape_cast %broadcast_in_dim3A_140 : vector<16xf32> to vector<1x16xf32>
        tpu.vector_store %arg8[%swap3A_141, %swap3A_142], %swap3A_145 {strides = array<i32>} : memref<128x128xf32, #tpu.memory_space<vmem>>, vector<1x16xf32>,
        %broadcast_in_dim3A_146 = arith.constant 0.000000e+00 : f32
        %broadcast_in_dim3A_147 = vector.broadcast %broadcast_in_dim3A_146 : f32 to vector<16xf32>
        %swap3A_148 = arith.index_cast %scan3A_98 : i32 to index
        %swap3A_149 = arith.constant 112 : index
        %swap3A_150 = tpu.vector_load %arg8[%swap3A_148, %swap3A_149] {strides = array<i32>} : memref<128x128xf32, #tpu.memory_space<vmem>>, vector<1x16xf32>,
        %swap3A_151 = vector.shape_cast %swap3A_150 : vector<1x16xf32> to vector<16xf32>
        %swap3A_152 = vector.shape_cast %broadcast_in_dim3A_147 : vector<16xf32> to vector<1x16xf32>
        tpu.vector_store %arg8[%swap3A_148, %swap3A_149], %swap3A_152 {strides = array<i32>} : memref<128x128xf32, #tpu.memory_space<vmem>>, vector<1x16xf32>,
      }
      %scan3A_97 = arith.constant 128 : i32
      "tpu.region"() ({
        %run_scoped3A = tpu.sem_alloc : memref<!tpu.dma_semaphore, #tpu.memory_space<semaphore_mem>>
        %dma_start3A_98 = arith.constant 0 : i32
        %dma_start3A_99 = arith.constant 0 : i32
        %dma_start3A_100 = tpu.memref_slice %arg8[%dma_start3A_98, %dma_start3A_99] : memref<128x128xf32, #tpu.memory_space<vmem>> -> memref<128x128xf32, #tpu.memory_space<vmem>>
        %dma_start3A_101 = arith.constant 0 : i32
        %dma_start3A_102 = arith.constant 0 : i32
        %dma_start3A_103 = tpu.memref_slice %arg12[%dma_start3A_101, %dma_start3A_102] : memref<9720x128xf32, #tpu.memory_space<vmem_shared>> -> memref<128x128xf32, #tpu.memory_space<vmem_shared>>
        %dma_start3A_104 = arith.constant 0 : i32
        %dma_start3A_105 = arith.constant 0 : i32
        %dma_start3A_106 = tpu.memref_slice %arg12[%dma_start3A_104, %dma_start3A_105] : memref<9720x128xf32, #tpu.memory_space<vmem_shared>> -> memref<128x128xf32, #tpu.memory_space<vmem_shared>>
        %dma_start3A_107 = arith.constant 0 : i32
        %dma_start3A_108 = arith.constant 0 : i32
        %dma_start3A_109 = tpu.memref_slice %arg8[%dma_start3A_107, %dma_start3A_108] : memref<128x128xf32, #tpu.memory_space<vmem>> -> memref<128x128xf32, #tpu.memory_space<vmem>>
        tpu.enqueue_dma source(%dma_start3A_109 : memref<128x128xf32, #tpu.memory_space<vmem>>) target(%dma_start3A_106 : memref<128x128xf32, #tpu.memory_space<vmem_shared>>) target_semaphore(%run_scoped3A : memref<!tpu.dma_semaphore, #tpu.memory_space<semaphore_mem>>)
        %dma_wait3A = arith.constant 0 : i32
        %dma_wait3A_110 = arith.constant 0 : i32
        %dma_wait3A_111 = tpu.memref_slice %arg8[%dma_wait3A, %dma_wait3A_110] : memref<128x128xf32, #tpu.memory_space<vmem>> -> memref<128x128xf32, #tpu.memory_space<vmem>>
        %dma_wait3A_112 = arith.constant 0 : i32
        %dma_wait3A_113 = arith.constant 0 : i32
        %dma_wait3A_114 = tpu.memref_slice %arg12[%dma_wait3A_112, %dma_wait3A_113] : memref<9720x128xf32, #tpu.memory_space<vmem_shared>> -> memref<128x128xf32, #tpu.memory_space<vmem_shared>>
        %dma_wait3A_115 = arith.constant 0 : i32
        %dma_wait3A_116 = arith.constant 0 : i32
        %dma_wait3A_117 = tpu.memref_slice %arg12[%dma_wait3A_115, %dma_wait3A_116] : memref<9720x128xf32, #tpu.memory_space<vmem_shared>> -> memref<128x128xf32, #tpu.memory_space<vmem_shared>>
        %dma_wait3A_118 = arith.constant 0 : i32
        %dma_wait3A_119 = arith.constant 0 : i32
        %dma_wait3A_120 = tpu.memref_slice %arg8[%dma_wait3A_118, %dma_wait3A_119] : memref<128x128xf32, #tpu.memory_space<vmem>> -> memref<128x128xf32, #tpu.memory_space<vmem>>
        tpu.wait_dma2 semaphore(%run_scoped3A : memref<!tpu.dma_semaphore, #tpu.memory_space<semaphore_mem>>) src(%dma_wait3A_120 : memref<128x128xf32, #tpu.memory_space<vmem>>) dst(%dma_wait3A_117 : memref<128x128xf32, #tpu.memory_space<vmem_shared>>)
        tpu.yield
      }) : () -> ()
      "tpu.region"() ({
        %run_scoped3A = tpu.sem_alloc : memref<!tpu.dma_semaphore, #tpu.memory_space<semaphore_mem>>
        %dma_start3A_98 = arith.constant 0 : i32
        %dma_start3A_99 = arith.constant 0 : i32
        %dma_start3A_100 = tpu.memref_slice %arg8[%dma_start3A_98, %dma_start3A_99] : memref<128x128xf32, #tpu.memory_space<vmem>> -> memref<128x128xf32, #tpu.memory_space<vmem>>
        %dma_start3A_101 = arith.constant 128 : i32
        %dma_start3A_102 = arith.constant 0 : i32
        %dma_start3A_103 = tpu.memref_slice %arg12[%dma_start3A_101, %dma_start3A_102] : memref<9720x128xf32, #tpu.memory_space<vmem_shared>> -> memref<128x128xf32, #tpu.memory_space<vmem_shared>>
        %dma_start3A_104 = arith.constant 128 : i32
        %dma_start3A_105 = arith.constant 0 : i32
        %dma_start3A_106 = tpu.memref_slice %arg12[%dma_start3A_104, %dma_start3A_105] : memref<9720x128xf32, #tpu.memory_space<vmem_shared>> -> memref<128x128xf32, #tpu.memory_space<vmem_shared>>
        %dma_start3A_107 = arith.constant 0 : i32
        %dma_start3A_108 = arith.constant 0 : i32
        %dma_start3A_109 = tpu.memref_slice %arg8[%dma_start3A_107, %dma_start3A_108] : memref<128x128xf32, #tpu.memory_space<vmem>> -> memref<128x128xf32, #tpu.memory_space<vmem>>
        tpu.enqueue_dma source(%dma_start3A_109 : memref<128x128xf32, #tpu.memory_space<vmem>>) target(%dma_start3A_106 : memref<128x128xf32, #tpu.memory_space<vmem_shared>>) target_semaphore(%run_scoped3A : memref<!tpu.dma_semaphore, #tpu.memory_space<semaphore_mem>>)
        %dma_wait3A = arith.constant 0 : i32
        %dma_wait3A_110 = arith.constant 0 : i32
        %dma_wait3A_111 = tpu.memref_slice %arg8[%dma_wait3A, %dma_wait3A_110] : memref<128x128xf32, #tpu.memory_space<vmem>> -> memref<128x128xf32, #tpu.memory_space<vmem>>
        %dma_wait3A_112 = arith.constant 128 : i32
        %dma_wait3A_113 = arith.constant 0 : i32
        %dma_wait3A_114 = tpu.memref_slice %arg12[%dma_wait3A_112, %dma_wait3A_113] : memref<9720x128xf32, #tpu.memory_space<vmem_shared>> -> memref<128x128xf32, #tpu.memory_space<vmem_shared>>
        %dma_wait3A_115 = arith.constant 128 : i32
        %dma_wait3A_116 = arith.constant 0 : i32
        %dma_wait3A_117 = tpu.memref_slice %arg12[%dma_wait3A_115, %dma_wait3A_116] : memref<9720x128xf32, #tpu.memory_space<vmem_shared>> -> memref<128x128xf32, #tpu.memory_space<vmem_shared>>
        %dma_wait3A_118 = arith.constant 0 : i32
        %dma_wait3A_119 = arith.constant 0 : i32
        %dma_wait3A_120 = tpu.memref_slice %arg8[%dma_wait3A_118, %dma_wait3A_119] : memref<128x128xf32, #tpu.memory_space<vmem>> -> memref<128x128xf32, #tpu.memory_space<vmem>>
        tpu.wait_dma2 semaphore(%run_scoped3A : memref<!tpu.dma_semaphore, #tpu.memory_space<semaphore_mem>>) src(%dma_wait3A_120 : memref<128x128xf32, #tpu.memory_space<vmem>>) dst(%dma_wait3A_117 : memref<128x128xf32, #tpu.memory_space<vmem_shared>>)
        tpu.yield
      }) : () -> ()
      "tpu.region"() ({
        %run_scoped3A = tpu.sem_alloc : memref<!tpu.dma_semaphore, #tpu.memory_space<semaphore_mem>>
        %dma_start3A_98 = arith.constant 0 : i32
        %dma_start3A_99 = arith.constant 0 : i32
        %dma_start3A_100 = tpu.memref_slice %arg8[%dma_start3A_98, %dma_start3A_99] : memref<128x128xf32, #tpu.memory_space<vmem>> -> memref<40x128xf32, #tpu.memory_space<vmem>>
        %dma_start3A_101 = arith.constant 256 : i32
        %dma_start3A_102 = arith.constant 0 : i32
        %dma_start3A_103 = tpu.memref_slice %arg12[%dma_start3A_101, %dma_start3A_102] : memref<9720x128xf32, #tpu.memory_space<vmem_shared>> -> memref<40x128xf32, #tpu.memory_space<vmem_shared>>
        %dma_start3A_104 = arith.constant 256 : i32
        %dma_start3A_105 = arith.constant 0 : i32
        %dma_start3A_106 = tpu.memref_slice %arg12[%dma_start3A_104, %dma_start3A_105] : memref<9720x128xf32, #tpu.memory_space<vmem_shared>> -> memref<40x128xf32, #tpu.memory_space<vmem_shared>>
        %dma_start3A_107 = arith.constant 0 : i32
        %dma_start3A_108 = arith.constant 0 : i32
        %dma_start3A_109 = tpu.memref_slice %arg8[%dma_start3A_107, %dma_start3A_108] : memref<128x128xf32, #tpu.memory_space<vmem>> -> memref<40x128xf32, #tpu.memory_space<vmem>>
        tpu.enqueue_dma source(%dma_start3A_109 : memref<40x128xf32, #tpu.memory_space<vmem>>) target(%dma_start3A_106 : memref<40x128xf32, #tpu.memory_space<vmem_shared>>) target_semaphore(%run_scoped3A : memref<!tpu.dma_semaphore, #tpu.memory_space<semaphore_mem>>)
        %dma_wait3A = arith.constant 0 : i32
        %dma_wait3A_110 = arith.constant 0 : i32
        %dma_wait3A_111 = tpu.memref_slice %arg8[%dma_wait3A, %dma_wait3A_110] : memref<128x128xf32, #tpu.memory_space<vmem>> -> memref<40x128xf32, #tpu.memory_space<vmem>>
        %dma_wait3A_112 = arith.constant 256 : i32
        %dma_wait3A_113 = arith.constant 0 : i32
        %dma_wait3A_114 = tpu.memref_slice %arg12[%dma_wait3A_112, %dma_wait3A_113] : memref<9720x128xf32, #tpu.memory_space<vmem_shared>> -> memref<40x128xf32, #tpu.memory_space<vmem_shared>>
        %dma_wait3A_115 = arith.constant 256 : i32
        %dma_wait3A_116 = arith.constant 0 : i32
        %dma_wait3A_117 = tpu.memref_slice %arg12[%dma_wait3A_115, %dma_wait3A_116] : memref<9720x128xf32, #tpu.memory_space<vmem_shared>> -> memref<40x128xf32, #tpu.memory_space<vmem_shared>>
        %dma_wait3A_118 = arith.constant 0 : i32
        %dma_wait3A_119 = arith.constant 0 : i32
        %dma_wait3A_120 = tpu.memref_slice %arg8[%dma_wait3A_118, %dma_wait3A_119] : memref<128x128xf32, #tpu.memory_space<vmem>> -> memref<40x128xf32, #tpu.memory_space<vmem>>
        tpu.wait_dma2 semaphore(%run_scoped3A : memref<!tpu.dma_semaphore, #tpu.memory_space<semaphore_mem>>) src(%dma_wait3A_120 : memref<40x128xf32, #tpu.memory_space<vmem>>) dst(%dma_wait3A_117 : memref<40x128xf32, #tpu.memory_space<vmem_shared>>)
        tpu.yield
      }) : () -> ()
    } else {
    }
    %barrier3A_65 = arith.constant 0 : index
    tpu.barrier barrier_id(%barrier3A_65)
    %dma_start3A_66 = arith.constant 0 : i32
    %dma_start3A_67 = arith.constant 0 : i32
    %dma_start3A_68 = tpu.memref_slice %arg6[%dma_start3A_66, %dma_start3A_67] : memref<80x128xi32, #tpu.memory_space<vmem>> -> memref<1x128xi32, #tpu.memory_space<vmem>>
    %dma_start3A_69 = tpu.memref_squeeze %dma_start3A_68 : memref<1x128xi32, #tpu.memory_space<vmem>> -> memref<128xi32, #tpu.memory_space<vmem>>
    %dma_start3A_70 = arith.constant 0 : i32
    %dma_start3A_71 = arith.constant 0 : i32
    %dma_start3A_72 = tpu.memref_slice %arg2[%dma_start3A_70, %dma_start3A_71] : memref<10000x128xf32, #tpu.memory_space<hbm>> -> memref<10000x128xf32, #tpu.memory_space<hbm>>
    tpu.enqueue_indirect_dma source(%dma_start3A_72 : memref<10000x128xf32, #tpu.memory_space<hbm>>) target(%arg8 : memref<128x128xf32, #tpu.memory_space<vmem>>) offsets(%dma_start3A_69 : memref<128xi32, #tpu.memory_space<vmem>>) semaphore(%arg10 : memref<!tpu.dma_semaphore, #tpu.memory_space<semaphore_mem>>)
    %dma_start3A_73 = arith.constant 1 : i32
    %dma_start3A_74 = arith.constant 0 : i32
    %dma_start3A_75 = tpu.memref_slice %arg6[%dma_start3A_73, %dma_start3A_74] : memref<80x128xi32, #tpu.memory_space<vmem>> -> memref<1x128xi32, #tpu.memory_space<vmem>>
    %dma_start3A_76 = tpu.memref_squeeze %dma_start3A_75 : memref<1x128xi32, #tpu.memory_space<vmem>> -> memref<128xi32, #tpu.memory_space<vmem>>
    %dma_start3A_77 = arith.constant 0 : i32
    %dma_start3A_78 = arith.constant 0 : i32
    %dma_start3A_79 = tpu.memref_slice %arg2[%dma_start3A_77, %dma_start3A_78] : memref<10000x128xf32, #tpu.memory_space<hbm>> -> memref<10000x128xf32, #tpu.memory_space<hbm>>
    tpu.enqueue_indirect_dma source(%dma_start3A_79 : memref<10000x128xf32, #tpu.memory_space<hbm>>) target(%arg9 : memref<128x128xf32, #tpu.memory_space<vmem>>) offsets(%dma_start3A_76 : memref<128xi32, #tpu.memory_space<vmem>>) semaphore(%arg11 : memref<!tpu.dma_semaphore, #tpu.memory_space<semaphore_mem>>)
    %scan3A_80 = arith.constant 0 : i32
    %scan3A_81 = arith.constant 0 : i32
    %scan3A_82 = arith.constant 40 : i32
    %scan3A_83 = arith.addi %scan3A_81, %scan3A_82 : i32
    %scan3A_84 = arith.constant 1 : i32
    scf.for %scan3A_92 = %scan3A_81 to %scan3A_83 step %scan3A_84  : i32 {
      %mul3A_93 = arith.constant 2 : i32
      %mul3A_94 = arith.muli %mul3A_93, %scan3A_92 : i32
      %dma_wait3A = arith.constant 0 : i32
      %dma_wait3A_95 = tpu.memref_slice %arg6[%mul3A_94, %dma_wait3A] : memref<80x128xi32, #tpu.memory_space<vmem>> -> memref<1x128xi32, #tpu.memory_space<vmem>>
      %dma_wait3A_96 = tpu.memref_squeeze %dma_wait3A_95 : memref<1x128xi32, #tpu.memory_space<vmem>> -> memref<128xi32, #tpu.memory_space<vmem>>
      %dma_wait3A_97 = arith.constant 0 : i32
      %dma_wait3A_98 = arith.constant 0 : i32
      %dma_wait3A_99 = tpu.memref_slice %arg2[%dma_wait3A_97, %dma_wait3A_98] : memref<10000x128xf32, #tpu.memory_space<hbm>> -> memref<10000x128xf32, #tpu.memory_space<hbm>>
      tpu.wait_indirect_dma semaphore(%arg10 : memref<!tpu.dma_semaphore, #tpu.memory_space<semaphore_mem>>) src(%dma_wait3A_99 : memref<10000x128xf32, #tpu.memory_space<hbm>>) dst(%arg8 : memref<128x128xf32, #tpu.memory_space<vmem>>)
      "tpu.region"() ({
        %run_scoped3A = tpu.sem_alloc : memref<!tpu.dma_semaphore, #tpu.memory_space<semaphore_mem>>
        %dma_start3A_123 = arith.constant 0 : i32
        %dma_start3A_124 = tpu.memref_slice %arg7[%mul3A_94, %dma_start3A_123] : memref<80x128xi32, #tpu.memory_space<vmem>> -> memref<1x128xi32, #tpu.memory_space<vmem>>
        %dma_start3A_125 = tpu.memref_squeeze %dma_start3A_124 : memref<1x128xi32, #tpu.memory_space<vmem>> -> memref<128xi32, #tpu.memory_space<vmem>>
        %dma_start3A_126 = arith.constant 0 : i32
        %dma_start3A_127 = arith.constant 0 : i32
        %dma_start3A_128 = tpu.memref_slice %arg12[%dma_start3A_126, %dma_start3A_127] : memref<9720x128xf32, #tpu.memory_space<vmem_shared>> -> memref<9720x128xf32, #tpu.memory_space<vmem_shared>>
        tpu.enqueue_indirect_dma source(%arg8 : memref<128x128xf32, #tpu.memory_space<vmem>>) target(%dma_start3A_128 : memref<9720x128xf32, #tpu.memory_space<vmem_shared>>) offsets(%dma_start3A_125 : memref<128xi32, #tpu.memory_space<vmem>>) semaphore(%run_scoped3A : memref<!tpu.dma_semaphore, #tpu.memory_space<semaphore_mem>>) {add = true}
        %dma_wait3A_129 = arith.constant 0 : i32
        %dma_wait3A_130 = tpu.memref_slice %arg7[%mul3A_94, %dma_wait3A_129] : memref<80x128xi32, #tpu.memory_space<vmem>> -> memref<1x128xi32, #tpu.memory_space<vmem>>
        %dma_wait3A_131 = tpu.memref_squeeze %dma_wait3A_130 : memref<1x128xi32, #tpu.memory_space<vmem>> -> memref<128xi32, #tpu.memory_space<vmem>>
        %dma_wait3A_132 = arith.constant 0 : i32
        %dma_wait3A_133 = arith.constant 0 : i32
        %dma_wait3A_134 = tpu.memref_slice %arg12[%dma_wait3A_132, %dma_wait3A_133] : memref<9720x128xf32, #tpu.memory_space<vmem_shared>> -> memref<9720x128xf32, #tpu.memory_space<vmem_shared>>
        tpu.wait_indirect_dma semaphore(%run_scoped3A : memref<!tpu.dma_semaphore, #tpu.memory_space<semaphore_mem>>) src(%arg8 : memref<128x128xf32, #tpu.memory_space<vmem>>) dst(%dma_wait3A_134 : memref<9720x128xf32, #tpu.memory_space<vmem_shared>>)
        tpu.yield
      }) : () -> ()
      %add3A_100 = arith.constant 2 : i32
      %add3A_101 = arith.addi %mul3A_94, %add3A_100 : i32
      %lt3A = arith.constant 80 : i32
      %lt3A_102 = arith.cmpi slt, %add3A_101, %lt3A : i32
      %convert_element_type3A_103 = arith.extui %lt3A_102 : i1 to i32
      %cond3A_104 = arith.constant 0 : i32
      %cond3A_105 = arith.cmpi ne, %convert_element_type3A_103, %cond3A_104 : i32
      scf.if %cond3A_105 {
        %add3A_123 = arith.constant 2 : i32
        %add3A_124 = arith.addi %mul3A_94, %add3A_123 : i32
        %dma_start3A_125 = arith.constant 0 : i32
        %dma_start3A_126 = tpu.memref_slice %arg6[%add3A_124, %dma_start3A_125] : memref<80x128xi32, #tpu.memory_space<vmem>> -> memref<1x128xi32, #tpu.memory_space<vmem>>
        %dma_start3A_127 = tpu.memref_squeeze %dma_start3A_126 : memref<1x128xi32, #tpu.memory_space<vmem>> -> memref<128xi32, #tpu.memory_space<vmem>>
        %dma_start3A_128 = arith.constant 0 : i32
        %dma_start3A_129 = arith.constant 0 : i32
        %dma_start3A_130 = tpu.memref_slice %arg2[%dma_start3A_128, %dma_start3A_129] : memref<10000x128xf32, #tpu.memory_space<hbm>> -> memref<10000x128xf32, #tpu.memory_space<hbm>>
        tpu.enqueue_indirect_dma source(%dma_start3A_130 : memref<10000x128xf32, #tpu.memory_space<hbm>>) target(%arg8 : memref<128x128xf32, #tpu.memory_space<vmem>>) offsets(%dma_start3A_127 : memref<128xi32, #tpu.memory_space<vmem>>) semaphore(%arg10 : memref<!tpu.dma_semaphore, #tpu.memory_space<semaphore_mem>>)
      } else {
      }
      %add3A_106 = arith.constant 1 : i32
      %add3A_107 = arith.addi %mul3A_94, %add3A_106 : i32
      %dma_wait3A_108 = arith.constant 0 : i32
      %dma_wait3A_109 = tpu.memref_slice %arg6[%add3A_107, %dma_wait3A_108] : memref<80x128xi32, #tpu.memory_space<vmem>> -> memref<1x128xi32, #tpu.memory_space<vmem>>
      %dma_wait3A_110 = tpu.memref_squeeze %dma_wait3A_109 : memref<1x128xi32, #tpu.memory_space<vmem>> -> memref<128xi32, #tpu.memory_space<vmem>>
      %dma_wait3A_111 = arith.constant 0 : i32
      %dma_wait3A_112 = arith.constant 0 : i32
      %dma_wait3A_113 = tpu.memref_slice %arg2[%dma_wait3A_111, %dma_wait3A_112] : memref<10000x128xf32, #tpu.memory_space<hbm>> -> memref<10000x128xf32, #tpu.memory_space<hbm>>
      tpu.wait_indirect_dma semaphore(%arg11 : memref<!tpu.dma_semaphore, #tpu.memory_space<semaphore_mem>>) src(%dma_wait3A_113 : memref<10000x128xf32, #tpu.memory_space<hbm>>) dst(%arg9 : memref<128x128xf32, #tpu.memory_space<vmem>>)
      %add3A_114 = arith.constant 1 : i32
      %add3A_115 = arith.addi %mul3A_94, %add3A_114 : i32
      "tpu.region"() ({
        %run_scoped3A = tpu.sem_alloc : memref<!tpu.dma_semaphore, #tpu.memory_space<semaphore_mem>>
        %dma_start3A_123 = arith.constant 0 : i32
        %dma_start3A_124 = tpu.memref_slice %arg7[%add3A_115, %dma_start3A_123] : memref<80x128xi32, #tpu.memory_space<vmem>> -> memref<1x128xi32, #tpu.memory_space<vmem>>
        %dma_start3A_125 = tpu.memref_squeeze %dma_start3A_124 : memref<1x128xi32, #tpu.memory_space<vmem>> -> memref<128xi32, #tpu.memory_space<vmem>>
        %dma_start3A_126 = arith.constant 0 : i32
        %dma_start3A_127 = arith.constant 0 : i32
        %dma_start3A_128 = tpu.memref_slice %arg12[%dma_start3A_126, %dma_start3A_127] : memref<9720x128xf32, #tpu.memory_space<vmem_shared>> -> memref<9720x128xf32, #tpu.memory_space<vmem_shared>>
        tpu.enqueue_indirect_dma source(%arg9 : memref<128x128xf32, #tpu.memory_space<vmem>>) target(%dma_start3A_128 : memref<9720x128xf32, #tpu.memory_space<vmem_shared>>) offsets(%dma_start3A_125 : memref<128xi32, #tpu.memory_space<vmem>>) semaphore(%run_scoped3A : memref<!tpu.dma_semaphore, #tpu.memory_space<semaphore_mem>>) {add = true}
        %dma_wait3A_129 = arith.constant 0 : i32
        %dma_wait3A_130 = tpu.memref_slice %arg7[%add3A_115, %dma_wait3A_129] : memref<80x128xi32, #tpu.memory_space<vmem>> -> memref<1x128xi32, #tpu.memory_space<vmem>>
        %dma_wait3A_131 = tpu.memref_squeeze %dma_wait3A_130 : memref<1x128xi32, #tpu.memory_space<vmem>> -> memref<128xi32, #tpu.memory_space<vmem>>
        %dma_wait3A_132 = arith.constant 0 : i32
        %dma_wait3A_133 = arith.constant 0 : i32
        %dma_wait3A_134 = tpu.memref_slice %arg12[%dma_wait3A_132, %dma_wait3A_133] : memref<9720x128xf32, #tpu.memory_space<vmem_shared>> -> memref<9720x128xf32, #tpu.memory_space<vmem_shared>>
        tpu.wait_indirect_dma semaphore(%run_scoped3A : memref<!tpu.dma_semaphore, #tpu.memory_space<semaphore_mem>>) src(%arg9 : memref<128x128xf32, #tpu.memory_space<vmem>>) dst(%dma_wait3A_134 : memref<9720x128xf32, #tpu.memory_space<vmem_shared>>)
        tpu.yield
      }) : () -> ()
      %add3A_116 = arith.constant 3 : i32
      %add3A_117 = arith.addi %mul3A_94, %add3A_116 : i32
      %lt3A_118 = arith.constant 80 : i32
      %lt3A_119 = arith.cmpi slt, %add3A_117, %lt3A_118 : i32
      %convert_element_type3A_120 = arith.extui %lt3A_119 : i1 to i32
      %cond3A_121 = arith.constant 0 : i32
      %cond3A_122 = arith.cmpi ne, %convert_element_type3A_120, %cond3A_121 : i32
      scf.if %cond3A_122 {
        %add3A_123 = arith.constant 3 : i32
        %add3A_124 = arith.addi %mul3A_94, %add3A_123 : i32
        %dma_start3A_125 = arith.constant 0 : i32
        %dma_start3A_126 = tpu.memref_slice %arg6[%add3A_124, %dma_start3A_125] : memref<80x128xi32, #tpu.memory_space<vmem>> -> memref<1x128xi32, #tpu.memory_space<vmem>>
        %dma_start3A_127 = tpu.memref_squeeze %dma_start3A_126 : memref<1x128xi32, #tpu.memory_space<vmem>> -> memref<128xi32, #tpu.memory_space<vmem>>
        %dma_start3A_128 = arith.constant 0 : i32
        %dma_start3A_129 = arith.constant 0 : i32
        %dma_start3A_130 = tpu.memref_slice %arg2[%dma_start3A_128, %dma_start3A_129] : memref<10000x128xf32, #tpu.memory_space<hbm>> -> memref<10000x128xf32, #tpu.memory_space<hbm>>
        tpu.enqueue_indirect_dma source(%dma_start3A_130 : memref<10000x128xf32, #tpu.memory_space<hbm>>) target(%arg9 : memref<128x128xf32, #tpu.memory_space<vmem>>) offsets(%dma_start3A_127 : memref<128xi32, #tpu.memory_space<vmem>>) semaphore(%arg11 : memref<!tpu.dma_semaphore, #tpu.memory_space<semaphore_mem>>)
      } else {
      }
    }
    %scan3A_85 = arith.constant 40 : i32
    %barrier3A_86 = arith.constant 0 : index
    tpu.barrier barrier_id(%barrier3A_86)
    %eq3A_87 = arith.constant 0 : i32
    %eq3A_88 = arith.cmpi eq, %arg1, %eq3A_87 : i32
    %convert_element_type3A_89 = arith.extui %eq3A_88 : i1 to i32
    %cond3A_90 = arith.constant 0 : i32
    %cond3A_91 = arith.cmpi ne, %convert_element_type3A_89, %cond3A_90 : i32
    scf.if %cond3A_91 {
      "tpu.region"() ({
        %run_scoped3A = tpu.sem_alloc : memref<!tpu.dma_semaphore, #tpu.memory_space<semaphore_mem>>
        %dma_start3A_92 = arith.constant 9712 : i32
        %dma_start3A_93 = arith.constant 0 : i32
        %dma_start3A_94 = tpu.memref_slice %arg5[%arg0, %dma_start3A_92, %dma_start3A_93] : memref<2x10000x128xf32, #tpu.memory_space<hbm>> -> memref<1x288x128xf32, #tpu.memory_space<hbm>>
        %dma_start3A_95 = tpu.memref_squeeze %dma_start3A_94 : memref<1x288x128xf32, #tpu.memory_space<hbm>> -> memref<288x128xf32, #tpu.memory_space<hbm>>
        %dma_start3A_96 = arith.constant 0 : i32
        %dma_start3A_97 = arith.constant 0 : i32
        %dma_start3A_98 = tpu.memref_slice %arg12[%dma_start3A_96, %dma_start3A_97] : memref<9720x128xf32, #tpu.memory_space<vmem_shared>> -> memref<288x128xf32, #tpu.memory_space<vmem_shared>>
        tpu.enqueue_dma source(%dma_start3A_98 : memref<288x128xf32, #tpu.memory_space<vmem_shared>>) target(%dma_start3A_95 : memref<288x128xf32, #tpu.memory_space<hbm>>) target_semaphore(%run_scoped3A : memref<!tpu.dma_semaphore, #tpu.memory_space<semaphore_mem>>)
        %dma_wait3A = arith.constant 9712 : i32
        %dma_wait3A_99 = arith.constant 0 : i32
        %dma_wait3A_100 = tpu.memref_slice %arg5[%arg0, %dma_wait3A, %dma_wait3A_99] : memref<2x10000x128xf32, #tpu.memory_space<hbm>> -> memref<1x288x128xf32, #tpu.memory_space<hbm>>
        %dma_wait3A_101 = tpu.memref_squeeze %dma_wait3A_100 : memref<1x288x128xf32, #tpu.memory_space<hbm>> -> memref<288x128xf32, #tpu.memory_space<hbm>>
        %dma_wait3A_102 = arith.constant 0 : i32
        %dma_wait3A_103 = arith.constant 0 : i32
        %dma_wait3A_104 = tpu.memref_slice %arg12[%dma_wait3A_102, %dma_wait3A_103] : memref<9720x128xf32, #tpu.memory_space<vmem_shared>> -> memref<288x128xf32, #tpu.memory_space<vmem_shared>>
        tpu.wait_dma2 semaphore(%run_scoped3A : memref<!tpu.dma_semaphore, #tpu.memory_space<semaphore_mem>>) src(%dma_wait3A_104 : memref<288x128xf32, #tpu.memory_space<vmem_shared>>) dst(%dma_wait3A_101 : memref<288x128xf32, #tpu.memory_space<hbm>>)
        tpu.yield
      }) : () -> ()
    } else {
    }
    return
  }
}

module attributes {stable_mosaic.version = 14 : i64} {
  func.func @_mlp_body(%arg0: i32, %arg1: memref<1x1000x128xf32, #tpu.memory_space<vmem>>, %arg2: memref<1x1000x128xf32, #tpu.memory_space<vmem>>, %arg3: memref<1000x128xf32, #tpu.memory_space<vmem>>, %arg4: memref<128x128xf32, #tpu.memory_space<vmem>>, %arg5: memref<1x128xf32, #tpu.memory_space<vmem>>, %arg6: memref<128x128xf32, #tpu.memory_space<vmem>>, %arg7: memref<1x128xf32, #tpu.memory_space<vmem>>, %arg8: memref<1000x128xf32, #tpu.memory_space<vmem>>) attributes {dimension_semantics = [#tpu.dimension_semantics<arbitrary>], iteration_bounds = array<i64: 10>, scalar_prefetch = 0 : i64, scratch_operands = 0 : i64, tpu.core_type = #tpu.core_type<tc>, window_params = [{transform_indices = @transform_0, window_bounds = array<i64: 1, 1000, 128>}, {transform_indices = @transform_1, window_bounds = array<i64: 1, 1000, 128>}, {transform_indices = @transform_2, window_bounds = array<i64: 1000, 128>}, {pipeline_mode = #tpu.pipeline_mode<synchronous>, transform_indices = @transform_3, window_bounds = array<i64: 128, 128>}, {pipeline_mode = #tpu.pipeline_mode<synchronous>, transform_indices = @transform_4, window_bounds = array<i64: 1, 128>}, {pipeline_mode = #tpu.pipeline_mode<synchronous>, transform_indices = @transform_5, window_bounds = array<i64: 128, 128>}, {pipeline_mode = #tpu.pipeline_mode<synchronous>, transform_indices = @transform_6, window_bounds = array<i64: 1, 128>}, {transform_indices = @transform_7, window_bounds = array<i64: 1000, 128>}]} {
    %get3A = arith.constant 0 : index
    %get3A_0 = arith.constant 0 : index
    %get3A_1 = arith.constant 0 : index
    %get3A_2 = vector.load %arg1[%get3A, %get3A_0, %get3A_1] : memref<1x1000x128xf32, #tpu.memory_space<vmem>>, vector<1x1000x128xf32>
    %get3A_3 = vector.shape_cast %get3A_2 : vector<1x1000x128xf32> to vector<1000x128xf32>
    %get3A_4 = arith.constant 0 : index
    %get3A_5 = arith.constant 0 : index
    %get3A_6 = arith.constant 0 : index
    %get3A_7 = vector.load %arg2[%get3A_4, %get3A_5, %get3A_6] : memref<1x1000x128xf32, #tpu.memory_space<vmem>>, vector<1x1000x128xf32>
    %get3A_8 = vector.shape_cast %get3A_7 : vector<1x1000x128xf32> to vector<1000x128xf32>
    %add3A = arith.addf %get3A_3, %get3A_8 : vector<1000x128xf32>
    %get3A_9 = arith.constant 0 : index
    %get3A_10 = arith.constant 0 : index
    %get3A_11 = vector.load %arg3[%get3A_9, %get3A_10] : memref<1000x128xf32, #tpu.memory_space<vmem>>, vector<1000x128xf32>
    %add3A_12 = arith.addf %add3A, %get3A_11 : vector<1000x128xf32>
    %get3A_13 = arith.constant 0 : index
    %get3A_14 = arith.constant 0 : index
    %get3A_15 = vector.load %arg4[%get3A_13, %get3A_14] : memref<128x128xf32, #tpu.memory_space<vmem>>, vector<128x128xf32>
    %dot_general3A = arith.constant dense<0.000000e+00> : vector<1000x128xf32>
    %dot_general3A_16 = tpu.matmul %add3A_12, %get3A_15, %dot_general3A {dimension_numbers = #tpu.dot_dimension_numbers<[1], [0], [0], [1], [0, 0, 1, 1], [], []>, transpose_lhs_hint = false} : vector<1000x128xf32>, vector<128x128xf32>, vector<1000x128xf32> -> vector<1000x128xf32>
    %get3A_17 = arith.constant 0 : index
    %get3A_18 = arith.constant 0 : index
    %get3A_19 = vector.load %arg5[%get3A_17, %get3A_18] : memref<1x128xf32, #tpu.memory_space<vmem>>, vector<1x128xf32>
    %add3A_20 = vector.broadcast %get3A_19 : vector<1x128xf32> to vector<1000x128xf32>
    %add3A_21 = arith.addf %dot_general3A_16, %add3A_20 : vector<1000x128xf32>
    %max3A = arith.constant 0.000000e+00 : f32
    %max3A_22 = vector.broadcast %max3A : f32 to vector<1000x128xf32>
    %max3A_23 = arith.maximumf %add3A_21, %max3A_22 : vector<1000x128xf32>
    %get3A_24 = arith.constant 0 : index
    %get3A_25 = arith.constant 0 : index
    %get3A_26 = vector.load %arg6[%get3A_24, %get3A_25] : memref<128x128xf32, #tpu.memory_space<vmem>>, vector<128x128xf32>
    %dot_general3A_27 = arith.constant dense<0.000000e+00> : vector<1000x128xf32>
    %dot_general3A_28 = tpu.matmul %max3A_23, %get3A_26, %dot_general3A_27 {dimension_numbers = #tpu.dot_dimension_numbers<[1], [0], [0], [1], [0, 0, 1, 1], [], []>, transpose_lhs_hint = false} : vector<1000x128xf32>, vector<128x128xf32>, vector<1000x128xf32> -> vector<1000x128xf32>
    %get3A_29 = arith.constant 0 : index
    %get3A_30 = arith.constant 0 : index
    %get3A_31 = vector.load %arg7[%get3A_29, %get3A_30] : memref<1x128xf32, #tpu.memory_space<vmem>>, vector<1x128xf32>
    %add3A_32 = vector.broadcast %get3A_31 : vector<1x128xf32> to vector<1000x128xf32>
    %add3A_33 = arith.addf %dot_general3A_28, %add3A_32 : vector<1000x128xf32>
    %swap3A = arith.constant 0 : index
    %swap3A_34 = arith.constant 0 : index
    %swap3A_35 = vector.load %arg8[%swap3A, %swap3A_34] : memref<1000x128xf32, #tpu.memory_space<vmem>>, vector<1000x128xf32>
    tpu.vector_store %arg8[%swap3A, %swap3A_34], %add3A_33 {strides = array<i32>} : memref<1000x128xf32, #tpu.memory_space<vmem>>, vector<1000x128xf32>,
    return
  }
  func.func @transform_0(%arg0: i32) -> (i32, i32, i32) {
    %c0_i32 = arith.constant 0 : i32
    %c0_i32_0 = arith.constant 0 : i32
    %c0_i32_1 = arith.constant 0 : i32
    return %c0_i32, %arg0, %c0_i32_0 : i32, i32, i32
  }
  func.func @transform_1(%arg0: i32) -> (i32, i32, i32) {
    %c1_i32 = arith.constant 1 : i32
    %c0_i32 = arith.constant 0 : i32
    %c0_i32_0 = arith.constant 0 : i32
    return %c1_i32, %arg0, %c0_i32 : i32, i32, i32
  }
  func.func @transform_2(%arg0: i32) -> (i32, i32) {
    %c0_i32 = arith.constant 0 : i32
    %c0_i32_0 = arith.constant 0 : i32
    return %arg0, %c0_i32 : i32, i32
  }
  func.func @transform_3(%arg0: i32) -> (i32, i32) {
    %c0_i32 = arith.constant 0 : i32
    %c0_i32_0 = arith.constant 0 : i32
    %c0_i32_1 = arith.constant 0 : i32
    return %c0_i32, %c0_i32_0 : i32, i32
  }
  func.func @transform_4(%arg0: i32) -> (i32, i32) {
    %c0_i32 = arith.constant 0 : i32
    %c0_i32_0 = arith.constant 0 : i32
    %c0_i32_1 = arith.constant 0 : i32
    return %c0_i32, %c0_i32_0 : i32, i32
  }
  func.func @transform_5(%arg0: i32) -> (i32, i32) {
    %c0_i32 = arith.constant 0 : i32
    %c0_i32_0 = arith.constant 0 : i32
    %c0_i32_1 = arith.constant 0 : i32
    return %c0_i32, %c0_i32_0 : i32, i32
  }
  func.func @transform_6(%arg0: i32) -> (i32, i32) {
    %c0_i32 = arith.constant 0 : i32
    %c0_i32_0 = arith.constant 0 : i32
    %c0_i32_1 = arith.constant 0 : i32
    return %c0_i32, %c0_i32_0 : i32, i32
  }
  func.func @transform_7(%arg0: i32) -> (i32, i32) {
    %c0_i32 = arith.constant 0 : i32
    %c0_i32_0 = arith.constant 0 : i32
    return %arg0, %c0_i32 : i32, i32
  }
}

</mosaic_0001>

<sc_bundles>
// kernel: kernel.4.cloned.1.call-start
scs
__scs_entry_jumppad:
0x0: {  	(pc) =	sbr.rel $0x88, $3  }
0x1: {  	(tag) =	ssettag $0x0;
	lr =	simm.s32 $0x1  }
0x2: {  	[smem:$0x3F9B] =	sst lr;
	_ =	strace $0xD0000000  }
0x3: {  	_ = 	snop  }
0x4: {  	_ = 	snop  }
0x5: {  	_ = 	snop  }
0x6: {  	_ = 	snop  }
0x7: {  	_ = 	snop  }
__scs_overlays_trampoline_lowered:
0x8: {  	[smem:$0x3FAA] =	sst s0  }
0x9: {  	[smem:$0x3FAB] =	sst s1  }
0xa: {  	[smem:$0x3FAC] =	sst s2  }
0xb: {  	[smem:$0x3FAD] =	sst s3  }
0xc: {  	[smem:$0x3FAE] =	sst s4  }
0xd: {  	[smem:$0x3FAF] =	sst s5  }
0xe: {  	[smem:$0x3FB0] =	sst s6  }
0xf: {  	[smem:$0x3FB1] =	sst s7  }
0x10: {  	[smem:$0x3FB2] =	sst s8  }
0x11: {  	[smem:$0x3FB3] =	sst s9;
	s0 =	simm.s32 @!p0 $0x0  }
0x12: {  	s1 =	sld [smem:$0x3F99];
	s0 =	simm.s32 @p0 $0x1  }
0x13: {  	[smem:$0x3FB4] =	sst s0;
	s0 =	simm.s32 @!p1 $0x0  }
0x14: {  	s2 =	sld [smem:$0x3F98];
	s0 =	simm.s32 @p1 $0x1  }
0x15: {  	[smem:$0x3FB5] =	sst s0;
	s0 =	simm.s32 @!p2 $0x0  }
0x16: {  	s3 =	sld [smem:$0x3FDB];
	s0 =	simm.s32 @p2 $0x1  }
0x17: {  	s4 =	simm.s32 $0x1BF5;
	[smem:$0x3FB7] =	sst s0  }
0x18: {  	s0 =	sld [smem:$0x3F9A];
	_ =	swait.ge [sflag:s4], $0x0  }
0x19: {  	s7 =	sld [smem:$0x3F9B]  }
0x1a: {  	s8 =	sadd.s32 $0xFFFFE003, lr  }
0x1b: {  	s9 =	sadd.s32 $0xFFFFFEF7, lr;
	s5 =	simm.s32 $0xFFFFFFFF;
	p2 =	slt.u32 s8, $0xFFFFF086  }
0x1c: {  	p1 =	slt.u32 s9, $0xF7A;
	s5 =	simm.s32 @!p2 $0x0  }
0x1d: {  	s5 =	simm.s32 @p1 $0x1;
	p0 =	seq.s32 s7, s2  }
0x1e: {  	s7 =	smul.u32 @!p0 $0xF7A, s2;
	p2 =	seq.s32 @!p0 s5, $0x0  }
0x1f: {  	s9 =	smul.u32 $0xF7A, s1;
	s8 =	simm.s32 @!p0 $0x1BF5;
	p2 =	por !p2, p0  }
0x20: {  	[sflag:s8] =	ssyncset.s32 @!p0 $0xFFFFF086;
	s6 =	sadd.s32 @!p0 s3, s7;
	s7 =	simm.s32 @!p0 $0x108  }
0x21: {  	s3 =	sadd.s32 s3, s9;
	s6 =	sadd.s32 @!p0 $0x88, s6;
	s7 =	simm.s32 @p2 $0x1082  }
0x22: {  	[simem:s7], [sflag:s8] =	dma.local @!p0 [hbm:s6], $0xF7A  }
0x23: {  	s9 =	sor.u32 $0xD0000000, s2;
	s6 =	simm.s32 $0x108;
	_ =	swait.ge @!p0 [sflag:s8], $0x0  }
0x24: {  	s3 =	sadd.s32 $0x88, s3;
	s6 =	simm.s32 @!p1 $0x1082;
	[sflag:s4] =	ssyncset.s32 $0xFFFFF086  }
0x25: {  	[simem:s6], [sflag:s4] =	dma.local [hbm:s3], $0xF7A  }
0x26: {  	[smem:$0x3F9B] =	sst s1;
	(tag) =	ssettag s2;
	_ =	strace s9  }
0x27: {  	s1 =	sld [smem:$0x3FAB]  }
0x28: {  	s2 =	sld [smem:$0x3FAC]  }
0x29: {  	s4 =	sld [smem:$0x3FAE]  }
0x2a: {  	p0 =	seq.s32 s5, $0x0;
	s5 =	sld [smem:$0x3FAF]  }
0x2b: {  	s6 =	sld [smem:$0x3FB0]  }
0x2c: {  	s7 =	sld [smem:$0x3FB1]  }
0x2d: {  	s3 =	simm.s32 $0x108;
	s8 =	sld [smem:$0x3FB2]  }
0x2e: {  	s3 =	simm.s32 @!p0 $0x1082;
	s9 =	sld [smem:$0x3FB3]  }
0x2f: {  	lr =	sadd.s32 s0, s3;
	s0 =	sld [smem:$0x3FAA]  }
0x30: {  	s3 =	sld [smem:$0x3FAD]  }
0x31: {  	[smem:$0x3FB6] =	sst s10  }
0x32: {  	s10 =	sld [smem:$0x3FB4];
	_ =	sdelay $0x3  }
0x33: {  	p0 =	seq.s32 s10, $0x1;
	s10 =	sld [smem:$0x3FB6];
	_ =	sdelay $0x3  }
0x34: {  	[smem:$0x3FB6] =	sst s10  }
0x35: {  	s10 =	sld [smem:$0x3FB5];
	_ =	sdelay $0x3  }
0x36: {  	p1 =	seq.s32 s10, $0x1;
	s10 =	sld [smem:$0x3FB6];
	_ =	sdelay $0x3  }
0x37: {  	[smem:$0x3FB6] =	sst s10  }
0x38: {  	s10 =	sld [smem:$0x3FB7]  }
0x39: {  	_ = 	snop;
	(pc) =	sbr.ind lr, $3  }
0x3a: {  	_ = 	snop  }
0x3b: {  	_ = 	snop  }
0x3c: {  	p2 =	seq.s32 s10, $0x1;
	s10 =	sld [smem:$0x3FB6]  }
0x3d: {  	_ =	shalt  }
0x3e: {  	_ =	shalt  }
0x3f: {  	_ =	shalt  }
0x40: {  	_ =	shalt  }
0x41: {  	_ =	shalt  }
0x42: {  	_ =	shalt  }
0x43: {  	_ =	shalt  }
0x44: {  	_ =	shalt  }
0x45: {  	_ =	shalt  }
0x46: {  	_ =	shalt  }
0x47: {  	_ =	shalt  }
0x48: {  	_ =	shalt  }
0x49: {  	_ =	shalt  }
0x4a: {  	_ =	shalt  }
0x4b: {  	_ =	shalt  }
0x4c: {  	_ =	shalt  }
0x4d: {  	_ =	shalt  }
0x4e: {  	_ =	shalt  }
0x4f: {  	_ =	shalt  }
0x50: {  	_ =	shalt  }
0x51: {  	_ =	shalt  }
0x52: {  	_ =	shalt  }
0x53: {  	_ =	shalt  }
0x54: {  	_ =	shalt  }
0x55: {  	_ =	shalt  }
0x56: {  	_ =	shalt  }
0x57: {  	_ =	shalt  }
0x58: {  	_ =	shalt  }
0x59: {  	_ =	shalt  }
0x5a: {  	_ =	shalt  }
0x5b: {  	_ =	shalt  }
0x5c: {  	_ =	shalt  }
0x5d: {  	_ =	shalt  }
0x5e: {  	_ =	shalt  }
0x5f: {  	_ =	shalt  }
0x60: {  	_ =	shalt  }
0x61: {  	_ =	shalt  }
0x62: {  	_ =	shalt  }
0x63: {  	_ =	shalt  }
0x64: {  	_ =	shalt  }
0x65: {  	_ =	shalt  }
0x66: {  	_ =	shalt  }
0x67: {  	_ =	shalt  }
0x68: {  	_ =	shalt  }
0x69: {  	_ =	shalt  }
0x6a: {  	_ =	shalt  }
0x6b: {  	_ =	shalt  }
0x6c: {  	_ =	shalt  }
0x6d: {  	_ =	shalt  }
0x6e: {  	_ =	shalt  }
0x6f: {  	_ =	shalt  }
0x70: {  	_ =	shalt  }
0x71: {  	_ =	shalt  }
0x72: {  	_ =	shalt  }
0x73: {  	_ =	shalt  }
0x74: {  	_ =	shalt  }
0x75: {  	_ =	shalt  }
0x76: {  	_ =	shalt  }
0x77: {  	_ =	shalt  }
0x78: {  	_ =	shalt  }
0x79: {  	_ =	shalt  }
0x7a: {  	_ =	shalt  }
0x7b: {  	_ =	shalt  }
0x7c: {  	_ =	shalt  }
0x7d: {  	_ =	shalt  }
0x7e: {  	_ =	shalt  }
0x7f: {  	_ =	shalt  }
0x80: {  	_ =	shalt  }
0x81: {  	_ =	shalt  }
0x82: {  	_ =	shalt  }
0x83: {  	_ =	shalt  }
0x84: {  	_ =	shalt  }
0x85: {  	_ =	shalt  }
0x86: {  	_ =	shalt  }
0x87: {  	_ =	shalt  }
.Lfunc_end0:
.L_simem_size_0:
called_computation_lowered:
.L_overlay_start_0:
0x88: {  	s2 =	sld [smem:$0x3FD9]  }
0x89: {  	s3 =	sld [smem:$0x3FFE];
	_ =	sdelay $0x1  }
0x8a: {  	s1 =	srdreg.scid  }
0x8b: {  	s0 =	sand.u32 $0x1, s1  }
0x8c: {  	s17 =	sshll.u32 s0, $0xA;
	s2 =	sadd.s32 s3, s2  }
0x8d: {  	s2 =	sadd.s32 s2, s17  }
0x8e: {  	[smem:$0x3FC2] =	sst s2  }
0x8f: {  	_ = 	snop  }
0x90: {  	s2 =	sld [smem:$0x3FC9]  }
0x91: {  	s18 =	sld [smem:$0x3FD0];
	(tm) =	ssettm $0x1  }
0x92: {  	s4 =	sld [smem:$0x3FFB];
	_ =	sdelay $0x3  }
0x93: {  	_ =	strace s4  }
0x94: {  	s4 =	sld [smem:$0x3FFC];
	_ =	sdelay $0x3  }
0x95: {  	_ =	strace s4  }
0x96: {  	s4 =	sld [smem:$0x3FFD];
	_ =	sdelay $0x3  }
0x97: {  	_ =	strace s4  }
0x98: {  	_ =	strace $0x8FFFFFFF  }
0x99: {  	s19 =	sld [smem:$0x3FDB];
	_ =	sdelay $0x1  }
0x9a: {  	s5 =	simm.s32 $_scs_section_size  }
0x9b: {  	s6 =	simm.s32 $_size__tile_overlayer_lowered;
	s7 =	simm.s32 $_tile_overlayer_lowered  }
0x9c: {  	s22 =	simm.s32 $0x1BFF;
	s21 =	sshll.u32 s7, $0x1;
	s4 =	sadd.s32 s5, s19  }
0x9d: {  	s8 =	simm.s32 $0x0;
	s20 =	sshll.u32 s6, $0x1;
	s6 =	sadd.s32 s21, s4  }
0x9e: {  	[timem:s8], [sflag:s22] =	dma.local [hbm:s6], s20  }
0x9f: {  	_ =	swait.ge [sflag:s22], s20  }
0xa0: {  	s5 =	ssub.s32 $0x0, s20;
	[sflag:s22] =	ssyncset.done $0x0  }
0xa1: {  	[sflag:s22] =	ssyncadd.s32 s5;
	_ =	sdelay $0x1  }
0xa2: {  	s23 =	simm.s32 $0x1B8B  }
0xa3: {  	_ =	swait.ge [sflag:s23], $0x1  }
0xa4: {  	[sflag:s23] =	ssyncset.done $0x0  }
0xa5: {  	s25 =	simm.s32 $0x1B8E;
	s24 =	sld [smem:$0x3FFE];
	[sflag:s23] =	ssyncadd.s32 $0xFFFFFFFF  }
0xa6: {  	s26 =	simm.s32 $execute0_lowered;
	[smem:$0x3FD2] =	sst s25  }
0xa7: {  	s6 =	sshll.u32 s26, $0x1;
	_ =	strace $0x80000046;
	[dreg:$0x1] =	wrdreg $0xFFFFFFFF  }
0xa8: {  	s28 =	simm.s32 $_size_execute0_lowered;
	s4 =	sadd.s32 s4, s6;
	[dreg:$0x0] =	wrdreg $0x0  }
0xa9: {  	s6 =	sshll.u32 s28, $0x1;
	[dreg:$0x2] =	wrdreg s4  }
0xaa: {  	[dreg:$0x3] =	wrdreg s6  }
0xab: {  	[dreg:$0x4] =	wrdreg $0xC0  }
0xac: {  	_ =	task [dreg:s8], $0x5FFFF  }
0xad: {  	[dreg:$0x1] =	wrdreg $0xFFFFFFFF  }
0xae: {  	[dreg:$0x0] =	wrdreg $0x60  }
0xaf: {  	[dreg:$0x2] =	wrdreg s2  }
0xb0: {  	[dreg:$0x3] =	wrdreg s18  }
0xb1: {  	[dreg:$0x4] =	wrdreg s24  }
0xb2: {  	[dreg:$0x5] =	wrdreg $0xD0000  }
0xb3: {  	[dreg:$0x6] =	wrdreg $0x9  }
0xb4: {  	_ =	task.clear_ibuf [dreg:s8], $0x7FFFF;
	_ =	strace $0x90000046  }
0xb5: {  	s29 =	simm.s32 $0x9;
	_ =	strace $0x80000048  }
0xb6: {  	_ =	swait.ge [sflag:s29], $0x1  }
0xb7: {  	[sflag:s29] =	ssyncadd.s32 $0xFFFFFFFF  }
0xb8: {  	_ =	strace $0x90000048  }
0xb9: {  	_ =	sfence  }
0xba: {  	s30 =	sld [smem:$0x0];
	_ =	sdelay $0x2  }
0xbb: {  	s31 =	sshll.u32 s1, $0xD;
	s1 =	sshrl.u32 s1, $0x2  }
0xbc: {  	s3 =	sand.u32 $0x4000, s31;
	s1 =	sadd.s32 s1, s30  }
0xbd: {  	s0 =	sor.u32 s3, s0;
	s1 =	sshll.u32 s1, $0x11  }
0xbe: {  	s0 =	sor.u32 s1, s0  }
0xbf: {  	s0 =	sadd.s32 $0x8F2B, s0  }
0xc0: {  	[sflag:s0] =	ssyncadd.remote.s32 $0x1  }
0xc1: {  	_ =	sfence.sel $0xFFFF  }
0xc2: {  	[dreg:$0x0] =	wrdreg $0xFFFFFFFF;
	(pc) =	sbr.abs _section_cstart, $3  }
0xc3: {  	[dreg:$0x1] =	wrdreg $0xFFFFFFFF  }
0xc4: {  	_ =	task.clear_ibuf [dreg:s8], $0x2FFFF;
	_ =	strace $0x9FFFFFFF  }
0xc5: {  	(tm) =	ssettm $0x7FFFFFFF  }
tec
execute0_lowered:
.L_overlay_start_1:
0x0: {  	(tag) =	ssettag $0x1  }
0x1: {  	s0 =	rddreg [dreg:$0x0]  }
0x2: {  	s1 =	rddreg [dreg:$0x1];
	s2 =	srdreg.scid  }
0x3: {  	s5 =	rddreg [dreg:$0x2];
	s3 =	stileid.u32;
	s4 =	simm.s32 $0x0  }
0x4: {  	s19 =	simm.s32 $0x3;
	s28 =	simm.s32 $0x2;
	s29 =	simm.s32 $0x4F00  }
0x5: {  	s30 =	simm.s32 $0x4F80;
	s31 =	simm.s32 $0x0;
	s10 =	smul.u32 $0x4BE00, s3  }
0x6: {  	s6 =	sand.u32 $0x1, s2;
	s2 =	rddreg [dreg:$0x3];
	s21 =	smul.u32 $0x12C00, s3  }
0x7: {  	[smem:$0x7FF] =	sst s4;
	s14 =	sadd.s32 $0xAE00, s5;
	s16 =	smul.u32 $0x4B000, s3  }
0x8: {  	p1 =	sne.s32 s3, $0xF;
	p0 =	sne.s32 s3, $0x0;
	s7 =	sshll.u32 s6, $0x4  }
0x9: {  	s8 =	ssub.s32 $0x2, s6;
	_ =	strace $0x80000047;
	s13 =	smul.u32 $0x138800, s6  }
0xa: {  	s12 =	sadd.s32 $0x12F800, s2;
	s25 =	sadd.s32 $0x12C000, s2;
	s24 =	sadd.s32 $0x4000, s2  }
0xb: {  	s26 =	sadd.s32 $0x8000, s2;
	s7 =	sor.u32 s3, s7;
	s9 =	sshrl.u32 s8, $0x1  }
0xc: {  	s20 =	sshrl.u32 s10, $0x2;
	s22 =	sshrl.u32 s16, $0x2;
	[dreg:$0x5] =	wrdreg s24  }
0xd: {  	[dreg:$0x6] =	wrdreg s26;
	s25 =	sshrl.u32 @!p1 s25, $0x3;
	s7 =	smul.u32 $0x500, s7  }
0xe: {  	s26 =	simm.s32 $0x1;
	s15 =	ssub.s32 s8, s9;
	s17 =	sshrl.u32 s13, $0x3  }
0xf: {  	s23 =	sadd.s32 s14, s17;
	s18 =	smax.u32 s15, $0x1;
	s11 =	sadd.s32 s7, s5  }
0x10: {  	s5 =	sadd.s32 s1, s7;
	s7 =	sadd.s32 s20, s2;
	s1 =	sadd.s32 s21, s13  }
0x11: {  	s17 =	sadd.s32 $0x25F00, s23;
	s20 =	simm.s32 $0x2800;
	s21 =	simm.s32 $0x5000  }
0x12: {  	s6 =	sadd.s32 $0xE00, s11;
	s8 =	sadd.s32 $0x4000, s7;
	s9 =	sadd.s32 $0x8000, s7  }
0x13: {  	s10 =	sadd.s32 $0xC000, s7;
	s11 =	sadd.s32 $0x10000, s7;
	s1 =	sshrl.u32 s1, $0x3  }
0x14: {  	s13 =	sadd.s32 s14, s1;
	s1 =	sadd.s32 s22, s2;
	s14 =	sadd.s32 $0x25800, s23  }
0x15: {  	v0 =	vimm.f32 $0.0e+00;
	s22 =	simm.s32 $0x80;
	s23 =	simm.s32 $0x9000;
	s24 =	sshrl.u32 s1, $0x3  }
.LBB2_1:
0x16: {  	[tilespmem:s4], [sflag:$0x3] =	stream.linear.gather [hbm4b:s5+s4], $0x2800, $0x38;
	v63 =	vld [tilespmem:$0x0]  }
0x17: {  	_ =	swait.ge [sflag:s19], $0x2800  }
0x18: {  	[sflag:s19] =	ssyncset.done $0x0  }
0x19: {  	[sflag:s19] =	ssyncadd.s32 $0xFFFFD800  }
0x1a: {  	[tilespmem:s20], [sflag:$0x3] =	stream.linear.gather [hbm4b:s6+s4], $0x2800, $0x38;
	v63 =	vld [tilespmem:$0x0]  }
0x1b: {  	_ =	swait.ge [sflag:s19], $0x2800  }
0x1c: {  	[sflag:s19] =	ssyncset.done $0x0  }
0x1d: {  	s1 =	simm.s32 $0x0;
	[sflag:s19] =	ssyncadd.s32 $0xFFFFD800  }
0x1e: {  	v5 =	vld [tilespmem:s1+$0x2800]  }
0x1f: {  	v2 =	vld [tilespmem:s1+$0x2810]  }
0x20: {  	v3 =	vld [tilespmem:s1+$0x2820]  }
0x21: {  	v6 =	vld [tilespmem:s1+$0x2830];
	_ =	sdelay $0x2  }
0x22: {  	v1 =	vld [tilespmem:s1+$0x2840];
	v4 =	vand.u32 $0x7, v5  }
0x23: {  	vm0 =	vlt.s32 v5, $0x25F0;
	v8 =	vand.u32 $0x7, v2;
	v7 =	vor.u32 $0x25F0, v4;
	v4 =	vld [tilespmem:s1+$0x2850]  }
0x24: {  	v9 =	vand.u32 $0x7, v3;
	vm1 =	vlt.s32 v3, $0x25F0;
	v10 =	vand.u32 $0x7, v6  }
0x25: {  	s15 =	simm.s32 $0x200;
	v8 =	vor.u32 $0x25F0, v8;
	v7 =	vsel vm0, v5, v7;
	vm0 =	vlt.s32 v2, $0x25F0;
	v5 =	vld [tilespmem:s1+$0x2860]  }
.LBB2_2:
0x26: {  	p2 =	sne.s32 s15, $0x9E00;
	v9 =	vor.u32 $0x25F0, v9;
	v10 =	vor.u32 $0x25F0, v10;
	vm2 =	vlt.s32 v6, $0x25F0;
	v11 =	vld [tilespmem:s1+$0x2870]  }
0x27: {  	s16 =	sshra.s32 s15, $0x2;
	v2 =	vsel vm0, v2, v8;
	[tilespmem:s1+$0x2800] =	vst v7;
	v3 =	vsel vm1, v3, v9;
	v6 =	vsel vm2, v6, v10  }
0x28: {  	v8 =	vand.u32 $0x7, v1;
	vm0 =	vlt.s32 v1, $0x25F0;
	v7 =	vld [tilespmem:s16+$0x2800];
	[tilespmem:s1+$0x2810] =	vst v2;
	v9 =	vand.u32 $0x7, v4  }
0x29: {  	v8 =	vor.u32 $0x25F0, v8;
	vm1 =	vlt.s32 v4, $0x25F0;
	v2 =	vld [tilespmem:s16+$0x2810];
	[tilespmem:s1+$0x2820] =	vst v3;
	v9 =	vor.u32 $0x25F0, v9  }
0x2a: {  	v1 =	vsel vm0, v1, v8;
	v3 =	vld [tilespmem:s16+$0x2820];
	[tilespmem:s1+$0x2830] =	vst v6;
	v4 =	vsel vm1, v4, v9;
	v8 =	vand.u32 $0x7, v5  }
0x2b: {  	vm0 =	vlt.s32 v5, $0x25F0;
	v6 =	vld [tilespmem:s16+$0x2830];
	[tilespmem:s1+$0x2840] =	vst v1;
	v1 =	vor.u32 $0x25F0, v8;
	v8 =	vand.u32 $0x7, v11  }
.Ltmp0:
0x2c: {  	[tilespmem:s1+$0x2850] =	vst v4;
	v4 =	vsel vm0, v5, v1;
	v5 =	vor.u32 $0x25F0, v8;
	vm0 =	vlt.s32 v11, $0x25F0;
	(pc) =	sbr.rel @p2 .LBB2_2-.Ltmp0, $4  }
0x2d: {  	v8 =	vand.u32 $0x7, v7;
	v1 =	vld [tilespmem:s16+$0x2840];
	[tilespmem:s1+$0x2860] =	vst v4;
	v5 =	vsel vm0, v11, v5  }
0x2e: {  	vm0 =	vlt.s32 v7, $0x25F0;
	v8 =	vor.u32 $0x25F0, v8;
	v9 =	vand.u32 $0x7, v2;
	v4 =	vld [tilespmem:s16+$0x2850];
	[tilespmem:s1+$0x2870] =	vst v5;
	s1 =	smov.u32 s16  }
0x2f: {  	v7 =	vsel vm0, v7, v8;
	v8 =	vor.u32 $0x25F0, v9;
	vm0 =	vlt.s32 v2, $0x25F0  }
0x30: {  	s15 =	sadd.s32 $0x200, s15;
	v9 =	vand.u32 $0x7, v3;
	vm1 =	vlt.s32 v3, $0x25F0;
	v10 =	vand.u32 $0x7, v6;
	v5 =	vld [tilespmem:s1+$0x2860]  }
0x31: {  	v9 =	vor.u32 $0x25F0, v9;
	v10 =	vor.u32 $0x25F0, v10;
	vm2 =	vlt.s32 v6, $0x25F0;
	v11 =	vld [tilespmem:s1+$0x2870]  }
0x32: {  	[tilespmem:s1+$0x2800] =	vst v7;
	v2 =	vsel vm0, v2, v8;
	v3 =	vsel vm1, v3, v9;
	v6 =	vsel vm2, v6, v10  }
0x33: {  	[tilespmem:s1+$0x2810] =	vst v2;
	v2 =	vand.u32 $0x7, v1;
	vm12 =	vlt.s32 v1, $0x25F0;
	v62 =	vand.u32 $0x7, v4  }
0x34: {  	[tilespmem:s1+$0x2820] =	vst v3;
	v2 =	vor.u32 $0x25F0, v2;
	vm13 =	vlt.s32 v4, $0x25F0;
	v3 =	vor.u32 $0x25F0, v62  }
0x35: {  	[tilespmem:s1+$0x2830] =	vst v6;
	v1 =	vsel vm12, v1, v2;
	v2 =	vsel vm13, v4, v3;
	v3 =	vand.u32 $0x7, v5  }
0x36: {  	[tilespmem:s1+$0x2840] =	vst v1;
	vm14 =	vlt.s32 v5, $0x25F0;
	v1 =	vor.u32 $0x25F0, v3;
	v3 =	vand.u32 $0x7, v11  }
0x37: {  	[tilespmem:s1+$0x2850] =	vst v2;
	vm15 =	vlt.s32 v11, $0x25F0;
	v1 =	vsel vm14, v5, v1;
	v2 =	vor.u32 $0x25F0, v3  }
0x38: {  	[tilespmem:s1+$0x2860] =	vst v1;
	v1 =	vsel vm15, v11, v2  }
0x39: {  	s15 =	simm.s32 $0x200;
	[tilespmem:s1+$0x2870] =	vst v1;
	s1 =	simm.s32 $0x0  }
.LBB2_4:
0x3a: {  	p2 =	sne.s32 s15, $0xFE00;
	[tilespmem:s1+$0x5070] =	vst v0  }
0x3b: {  	[tilespmem:s1+$0x5000] =	vst v0  }
0x3c: {  	[tilespmem:s1+$0x5010] =	vst v0  }
.Ltmp1:
0x3d: {  	[tilespmem:s1+$0x5020] =	vst v0;
	(pc) =	sbr.rel @p2 .LBB2_4-.Ltmp1, $4  }
0x3e: {  	[tilespmem:s1+$0x5030] =	vst v0  }
0x3f: {  	[tilespmem:s1+$0x5040] =	vst v0  }
0x40: {  	[tilespmem:s1+$0x5050] =	vst v0  }
0x41: {  	[tilespmem:s1+$0x5060] =	vst v0;
	s1 =	sshra.s32 s15, $0x2;
	s15 =	sadd.s32 $0x200, s15  }
0x42: {  	[tilespmem:s1+$0x5070] =	vst v0  }
0x43: {  	[tilespmem:s1+$0x5000] =	vst v0  }
0x44: {  	[tilespmem:s1+$0x5010] =	vst v0  }
0x45: {  	[tilespmem:s1+$0x5020] =	vst v0  }
0x46: {  	[tilespmem:s1+$0x5030] =	vst v0  }
0x47: {  	[tilespmem:s1+$0x5040] =	vst v0  }
0x48: {  	[tilespmem:s1+$0x5050] =	vst v0  }
0x49: {  	[tilespmem:s1+$0x5060] =	vst v0  }
0x4a: {  	[spmem:s7] =	stream.linear.scatter [tilespmem:s21], [sflag:$0x3], $0x4000, $0x38;
	v63 =	vld [tilespmem:$0x0]  }
0x4b: {  	_ =	swait.ge [sflag:s19], $0x4000  }
0x4c: {  	[sflag:s19] =	ssyncset.done $0x0  }
0x4d: {  	[sflag:s19] =	ssyncadd.s32 $0xFFFFC000  }
0x4e: {  	[spmem:s8] =	stream.linear.scatter [tilespmem:s21], [sflag:$0x3], $0x4000, $0x38;
	v63 =	vld [tilespmem:$0x0]  }
0x4f: {  	_ =	swait.ge [sflag:s19], $0x4000  }
0x50: {  	[sflag:s19] =	ssyncset.done $0x0  }
0x51: {  	[sflag:s19] =	ssyncadd.s32 $0xFFFFC000  }
0x52: {  	[spmem:s9] =	stream.linear.scatter [tilespmem:s21], [sflag:$0x3], $0x4000, $0x38;
	v63 =	vld [tilespmem:$0x0]  }
0x53: {  	_ =	swait.ge [sflag:s19], $0x4000  }
0x54: {  	[sflag:s19] =	ssyncset.done $0x0  }
0x55: {  	[sflag:s19] =	ssyncadd.s32 $0xFFFFC000  }
0x56: {  	[spmem:s10] =	stream.linear.scatter [tilespmem:s21], [sflag:$0x3], $0x4000, $0x38;
	v63 =	vld [tilespmem:$0x0]  }
0x57: {  	_ =	swait.ge [sflag:s19], $0x4000  }
0x58: {  	[sflag:s19] =	ssyncset.done $0x0  }
0x59: {  	[sflag:s19] =	ssyncadd.s32 $0xFFFFC000  }
0x5a: {  	[spmem:s11] =	stream.linear.scatter [tilespmem:s21], [sflag:$0x3], $0x2F80, $0x38;
	v63 =	vld [tilespmem:$0x0]  }
0x5b: {  	_ =	swait.ge [sflag:s19], $0x2F80  }
0x5c: {  	[sflag:s19] =	ssyncset.done $0x0  }
0x5d: {  	s1 =	simm.s32 @!p1 $0x5000;
	[sflag:s19] =	ssyncadd.s32 $0xFFFFD080  }
0x5e: {  	[spmem:s12] =	stream.linear.scatter @!p1 [tilespmem:s1], [sflag:$0x3], $0x400, $0x38;
	v63 =	vld [tilespmem:$0x0]  }
0x5f: {  	s1 =	simm.s32 @!p1 $0x3  }
0x60: {  	_ =	swait.ge @!p1 [sflag:s1], $0x400  }
0x61: {  	[sflag:s1] =	ssyncset.done @!p1 $0x0  }
0x62: {  	[sflag:s1] =	ssyncadd.s32 @!p1 $0xFFFFFC00  }
0x63: {  	s16 =	simm.s32 $0x0;
	[bflag:$0x0] =	sbarrier.arrive $0xFFFF  }
0x64: {  	[tilespmem:s21], [sflag:$0x1] =	stream.indirect.gather [hbm4b:s0+s22], $0x80, s16, s22, $0xb8;
	v63 =	vld [tilespmem:$0x0]  }
0x65: {  	_ = 	snop  }
0x66: {  	[tilespmem:s23], [sflag:$0x2] =	stream.indirect.gather [hbm4b:s0+s22], $0x80, s22, s22, $0xb8;
	v63 =	vld [tilespmem:$0x0]  }
0x67: {  	_ =	swait.ge [sflag:s26], $0x4000  }
0x68: {  	[sflag:s26] =	ssyncset.done $0x0  }
0x69: {  	s3 =	simm.s32 $0x2800;
	[sflag:s26] =	ssyncadd.s32 $0xFFFFC000  }
0x6a: {  	[spmem:s2] =	stream.indirect.scatter.add.f32 [tilespmem:s21], [sflag:$0x3], $0x80, s3, s22, $0xb8;
	v63 =	vld [tilespmem:$0x0]  }
0x6b: {  	_ =	swait.ge [sflag:s19], $0x4000  }
0x6c: {  	[sflag:s19] =	ssyncset.done $0x0  }
0x6d: {  	s15 =	simm.s32 $0x100;
	[sflag:s19] =	ssyncadd.s32 $0xFFFFC000  }
0x6e: {  	[tilespmem:s21], [sflag:$0x1] =	stream.indirect.gather [hbm4b:s0+s22], $0x80, s15, s22, $0xb8;
	v63 =	vld [tilespmem:$0x0]  }
0x6f: {  	_ =	swait.ge [sflag:s28], $0x4000  }
0x70: {  	[sflag:s28] =	ssyncset.done $0x0  }
0x71: {  	s16 =	simm.s32 $0x2880;
	[sflag:s28] =	ssyncadd.s32 $0xFFFFC000  }
0x72: {  	[spmem:s2] =	stream.indirect.scatter.add.f32 [tilespmem:s23], [sflag:$0x3], $0x80, s16, s22, $0xb8;
	v63 =	vld [tilespmem:$0x0]  }
0x73: {  	_ =	swait.ge [sflag:s19], $0x4000  }
0x74: {  	[sflag:s19] =	ssyncset.done $0x0  }
0x75: {  	s1 =	simm.s32 $0x400;
	s15 =	simm.s32 $0x180;
	[sflag:s19] =	ssyncadd.s32 $0xFFFFC000  }
.LBB2_6:
0x76: {  	[tilespmem:s23], [sflag:$0x2] =	stream.indirect.gather [hbm4b:s0+s22], $0x80, s15, s22, $0xb8;
	v63 =	vld [tilespmem:$0x0]  }
0x77: {  	s15 =	smov.u32 s1  }
0x78: {  	p2 =	sne.s32 s1, $0x9800;
	s1 =	sadd.s32 $0x400, s1;
	_ =	swait.ge [sflag:s26], $0x4000  }
0x79: {  	s15 =	sshra.s32 s15, $0x2;
	[sflag:s26] =	ssyncset.done $0x0  }
0x7a: {  	s16 =	sadd.s32 $0x2800, s15;
	[sflag:s26] =	ssyncadd.s32 $0xFFFFC000  }
0x7b: {  	[spmem:s2] =	stream.indirect.scatter.add.f32 [tilespmem:s21], [sflag:$0x3], $0x80, s16, s22, $0xb8;
	v63 =	vld [tilespmem:$0x0]  }
0x7c: {  	_ =	swait.ge [sflag:s19], $0x4000  }
0x7d: {  	[sflag:s19] =	ssyncset.done $0x0  }
0x7e: {  	s16 =	sadd.s32 $0x100, s15;
	[sflag:s19] =	ssyncadd.s32 $0xFFFFC000  }
0x7f: {  	[tilespmem:s21], [sflag:$0x1] =	stream.indirect.gather [hbm4b:s0+s22], $0x80, s16, s22, $0xb8;
	v63 =	vld [tilespmem:$0x0]  }
0x80: {  	_ =	swait.ge [sflag:s28], $0x4000  }
0x81: {  	[sflag:s28] =	ssyncset.done $0x0  }
.Ltmp2:
0x82: {  	s16 =	sadd.s32 $0x2880, s15;
	[sflag:s28] =	ssyncadd.s32 $0xFFFFC000;
	(pc) =	sbr.rel @p2 .LBB2_6-.Ltmp2, $4  }
0x83: {  	[spmem:s2] =	stream.indirect.scatter.add.f32 [tilespmem:s23], [sflag:$0x3], $0x80, s16, s22, $0xb8;
	v63 =	vld [tilespmem:$0x0]  }
0x84: {  	_ =	swait.ge [sflag:s19], $0x4000  }
0x85: {  	[sflag:s19] =	ssyncset.done $0x0  }
0x86: {  	s15 =	sadd.s32 $0x180, s15;
	[sflag:s19] =	ssyncadd.s32 $0xFFFFC000  }
0x87: {  	[tilespmem:s23], [sflag:$0x2] =	stream.indirect.gather [hbm4b:s0+s22], $0x80, s15, s22, $0xb8;
	v63 =	vld [tilespmem:$0x0]  }
0x88: {  	_ =	swait.ge [sflag:s26], $0x4000  }
0x89: {  	[sflag:s26] =	ssyncset.done $0x0  }
0x8a: {  	[sflag:s26] =	ssyncadd.s32 $0xFFFFC000  }
0x8b: {  	[spmem:s2] =	stream.indirect.scatter.add.f32 [tilespmem:s21], [sflag:$0x3], $0x80, s29, s22, $0xb8;
	v63 =	vld [tilespmem:$0x0]  }
0x8c: {  	_ =	swait.ge [sflag:s19], $0x4000  }
0x8d: {  	[sflag:s19] =	ssyncset.done $0x0  }
0x8e: {  	[sflag:s19] =	ssyncadd.s32 $0xFFFFC000  }
0x8f: {  	_ =	swait.ge [sflag:s28], $0x4000  }
0x90: {  	[sflag:s28] =	ssyncset.done $0x0  }
0x91: {  	[sflag:s28] =	ssyncadd.s32 $0xFFFFC000  }
0x92: {  	[spmem:s2] =	stream.indirect.scatter.add.f32 [tilespmem:s23], [sflag:$0x3], $0x80, s30, s22, $0xb8;
	v63 =	vld [tilespmem:$0x0]  }
0x93: {  	_ =	swait.ge [sflag:s19], $0x4000  }
0x94: {  	s1 =	stileid.u32;
	[sflag:s19] =	ssyncset.done $0x0  }
0x95: {  	s1 =	sshll.u32 s1, $0x6;
	[sflag:s19] =	ssyncadd.s32 $0xFFFFC000  }
0x96: {  	s1 =	sor.u32 $0x1C03, s1;
	[bflag:$0x0] =	sbarrier.arrive $0xFFFF  }
0x97: {  	[hbm:s13], [sflag:s1] =	dma.local [spmem:s24], $0x2580  }
0x98: {  	_ =	swait.ge [sflag:s19], $0x2580  }
0x99: {  	[sflag:s19] =	ssyncset.done $0x0  }
0x9a: {  	s15 =	simm.s32 @!p1 $0x3;
	[sflag:s19] =	ssyncadd.s32 $0xFFFFDA80  }
0x9b: {  	[hbm:s14], [sflag:s1] =	dma.local @!p1 [spmem:s25], $0x700  }
0x9c: {  	_ =	swait.ge @!p1 [sflag:s15], $0x700  }
0x9d: {  	[sflag:s15] =	ssyncset.done @!p1 $0x0  }
0x9e: {  	s16 =	simm.s32 $0x0;
	[sflag:s15] =	ssyncadd.s32 @!p1 $0xFFFFF900  }
0x9f: {  	[tilespmem:s20], [sflag:$0x3] =	stream.linear.gather [hbm4b:s6+s16], $0x2800, $0x38;
	v63 =	vld [tilespmem:$0x0]  }
0xa0: {  	_ =	swait.ge [sflag:s19], $0x2800  }
0xa1: {  	[sflag:s19] =	ssyncset.done $0x0  }
0xa2: {  	s15 =	simm.s32 $0x0;
	[sflag:s19] =	ssyncadd.s32 $0xFFFFD800  }
0xa3: {  	v1 =	vld [tilespmem:s15+$0x2800]  }
0xa4: {  	v2 =	vld [tilespmem:s15+$0x2810];
	_ =	sdelay $0x2  }
0xa5: {  	v3 =	vld [tilespmem:s15+$0x2820]  }
0xa6: {  	v8 =	vld [tilespmem:s15+$0x2830]  }
0xa7: {  	v4 =	vadd.s32 $0xFFFFDA10, v1;
	v1 =	vand.u32 $0xFFF, v1;
	v6 =	vadd.s32 $0xFFFFDA10, v2  }
0xa8: {  	v5 =	vld [tilespmem:s15+$0x2840];
	v2 =	vand.u32 $0xFFF, v2;
	vm0 =	vlt.u32 v4, $0x120;
	v1 =	vadd.s32 $0x128, v1  }
0xa9: {  	v4 =	vsel vm0, v4, v1;
	vm0 =	vlt.u32 v6, $0x120;
	v1 =	vadd.s32 $0x128, v2  }
0xaa: {  	v2 =	vsel vm0, v6, v1;
	v6 =	vadd.s32 $0xFFFFDA10, v3;
	v1 =	vand.u32 $0xFFF, v3;
	v3 =	vld [tilespmem:s15+$0x2850]  }
0xab: {  	v7 =	vadd.s32 $0xFFFFDA10, v8;
	vm0 =	vlt.u32 v6, $0x120;
	v9 =	vadd.s32 $0x128, v1;
	v1 =	vld [tilespmem:s15+$0x2860]  }
0xac: {  	s16 =	simm.s32 $0x200;
	v8 =	vand.u32 $0xFFF, v8;
	v6 =	vsel vm0, v6, v9;
	vm0 =	vlt.u32 v7, $0x120  }
.LBB2_8:
0xad: {  	p2 =	sne.s32 s16, $0x9E00;
	v8 =	vadd.s32 $0x128, v8;
	v9 =	vadd.s32 $0xFFFFDA10, v5;
	v5 =	vand.u32 $0xFFF, v5;
	v10 =	vld [tilespmem:s15+$0x2870]  }
0xae: {  	s3 =	sshra.s32 s16, $0x2;
	[tilespmem:s15+$0x2800] =	vst v4;
	v4 =	vsel vm0, v7, v8;
	vm0 =	vlt.u32 v9, $0x120;
	v5 =	vadd.s32 $0x128, v5  }
0xaf: {  	v7 =	vld [tilespmem:s3+$0x2800];
	[tilespmem:s15+$0x2810] =	vst v2;
	v2 =	vsel vm0, v9, v5;
	v5 =	vadd.s32 $0xFFFFDA10, v3;
	v3 =	vand.u32 $0xFFF, v3  }
0xb0: {  	[tilespmem:s15+$0x2820] =	vst v6;
	vm0 =	vlt.u32 v5, $0x120;
	v3 =	vadd.s32 $0x128, v3;
	v6 =	vadd.s32 $0xFFFFDA10, v1  }
0xb1: {  	v1 =	vand.u32 $0xFFF, v1;
	v8 =	vld [tilespmem:s3+$0x2810];
	[tilespmem:s15+$0x2830] =	vst v4;
	v3 =	vsel vm0, v5, v3;
	vm0 =	vlt.u32 v6, $0x120  }
0xb2: {  	v1 =	vadd.s32 $0x128, v1;
	[tilespmem:s15+$0x2840] =	vst v2;
	v2 =	vadd.s32 $0xFFFFDA10, v10;
	v4 =	vand.u32 $0xFFF, v10  }
0xb3: {  	v1 =	vsel vm0, v6, v1;
	v9 =	vld [tilespmem:s3+$0x2820];
	[tilespmem:s15+$0x2850] =	vst v3;
	vm0 =	vlt.u32 v2, $0x120;
	v3 =	vadd.s32 $0x128, v4  }
0xb4: {  	v4 =	vadd.s32 $0xFFFFDA10, v7;
	v10 =	vld [tilespmem:s3+$0x2830];
	[tilespmem:s15+$0x2860] =	vst v1;
	v1 =	vsel vm0, v2, v3  }
0xb5: {  	v2 =	vand.u32 $0xFFF, v7;
	vm0 =	vlt.u32 v4, $0x120;
	[tilespmem:s15+$0x2870] =	vst v1;
	s15 =	smov.u32 s3  }
.Ltmp3:
0xb6: {  	v1 =	vadd.s32 $0x128, v2;
	v2 =	vadd.s32 $0xFFFFDA10, v8;
	v3 =	vand.u32 $0xFFF, v8;
	v5 =	vld [tilespmem:s15+$0x2840];
	(pc) =	sbr.rel @p2 .LBB2_8-.Ltmp3, $4  }
0xb7: {  	v4 =	vsel vm0, v4, v1;
	vm0 =	vlt.u32 v2, $0x120;
	v1 =	vadd.s32 $0x128, v3  }
0xb8: {  	v2 =	vsel vm0, v2, v1;
	v6 =	vadd.s32 $0xFFFFDA10, v9;
	v1 =	vand.u32 $0xFFF, v9;
	v3 =	vld [tilespmem:s15+$0x2850]  }
0xb9: {  	vm0 =	vlt.u32 v6, $0x120;
	v8 =	vadd.s32 $0x128, v1;
	v7 =	vadd.s32 $0xFFFFDA10, v10;
	v1 =	vld [tilespmem:s15+$0x2860]  }
0xba: {  	s16 =	sadd.s32 $0x200, s16;
	v6 =	vsel vm0, v6, v8;
	vm0 =	vlt.u32 v7, $0x120;
	v8 =	vand.u32 $0xFFF, v10  }
0xbb: {  	v8 =	vadd.s32 $0x128, v8;
	v9 =	vadd.s32 $0xFFFFDA10, v5;
	v58 =	vand.u32 $0xFFF, v5;
	v10 =	vld [tilespmem:s15+$0x2870]  }
0xbc: {  	[tilespmem:s15+$0x2800] =	vst v4;
	v59 =	vsel vm0, v7, v8;
	vm12 =	vlt.u32 v9, $0x120;
	v5 =	vadd.s32 $0x128, v58  }
0xbd: {  	[tilespmem:s15+$0x2810] =	vst v2;
	v2 =	vsel vm12, v9, v5;
	v60 =	vadd.s32 $0xFFFFDA10, v3;
	v3 =	vand.u32 $0xFFF, v3  }
0xbe: {  	[tilespmem:s15+$0x2820] =	vst v6;
	vm13 =	vlt.u32 v60, $0x120;
	v3 =	vadd.s32 $0x128, v3;
	v61 =	vadd.s32 $0xFFFFDA10, v1  }
0xbf: {  	[tilespmem:s15+$0x2830] =	vst v59;
	v1 =	vand.u32 $0xFFF, v1;
	v3 =	vsel vm13, v60, v3;
	vm14 =	vlt.u32 v61, $0x120  }
0xc0: {  	[tilespmem:s15+$0x2840] =	vst v2;
	v1 =	vadd.s32 $0x128, v1;
	v2 =	vadd.s32 $0xFFFFDA10, v10;
	v62 =	vand.u32 $0xFFF, v10  }
.Ltmp4:
0xc1: {  	[tilespmem:s15+$0x2850] =	vst v3;
	v1 =	vsel vm14, v61, v1;
	vm15 =	vlt.u32 v2, $0x120;
	v3 =	vadd.s32 $0x128, v62;
	(pc) =	sbr.rel @p0 .LBB2_13-.Ltmp4, $3  }
0xc2: {  	[tilespmem:s15+$0x2860] =	vst v1;
	v1 =	vsel vm15, v2, v3  }
0xc3: {  	[tilespmem:s15+$0x2870] =	vst v1  }
0xc4: {  	[bflag:$0x0] =	sbarrier.arrive $0xFFFF;
	_ =	sdelay $0x1  }
0xc5: {  	s15 =	simm.s32 $0x0;
	s16 =	simm.s32 $0x200  }
.LBB2_11:
0xc6: {  	p2 =	sne.s32 s16, $0xFE00;
	[tilespmem:s15+$0x5070] =	vst v0  }
0xc7: {  	[tilespmem:s15+$0x5000] =	vst v0  }
0xc8: {  	[tilespmem:s15+$0x5010] =	vst v0  }
.Ltmp5:
0xc9: {  	[tilespmem:s15+$0x5020] =	vst v0;
	(pc) =	sbr.rel @p2 .LBB2_11-.Ltmp5, $4  }
0xca: {  	[tilespmem:s15+$0x5030] =	vst v0  }
0xcb: {  	[tilespmem:s15+$0x5040] =	vst v0  }
0xcc: {  	[tilespmem:s15+$0x5050] =	vst v0  }
0xcd: {  	[tilespmem:s15+$0x5060] =	vst v0;
	s15 =	sshra.s32 s16, $0x2;
	s16 =	sadd.s32 $0x200, s16  }
0xce: {  	[tilespmem:s15+$0x5070] =	vst v0  }
0xcf: {  	[tilespmem:s15+$0x5000] =	vst v0  }
0xd0: {  	[tilespmem:s15+$0x5010] =	vst v0  }
0xd1: {  	[tilespmem:s15+$0x5020] =	vst v0  }
0xd2: {  	[tilespmem:s15+$0x5030] =	vst v0  }
0xd3: {  	[tilespmem:s15+$0x5040] =	vst v0  }
0xd4: {  	[tilespmem:s15+$0x5050] =	vst v0  }
0xd5: {  	[tilespmem:s15+$0x5060] =	vst v0  }
0xd6: {  	[spmem:s2] =	stream.linear.scatter [tilespmem:s21], [sflag:$0x3], $0x4000, $0x38;
	v63 =	vld [tilespmem:$0x0]  }
0xd7: {  	_ =	swait.ge [sflag:s19], $0x4000  }
0xd8: {  	[sflag:s19] =	ssyncset.done $0x0  }
0xd9: {  	s3 =	rddreg [dreg:$0x5];
	[sflag:s19] =	ssyncadd.s32 $0xFFFFC000  }
0xda: {  	[spmem:s3] =	stream.linear.scatter [tilespmem:s21], [sflag:$0x3], $0x4000, $0x38;
	v63 =	vld [tilespmem:$0x0]  }
0xdb: {  	_ =	swait.ge [sflag:s19], $0x4000  }
0xdc: {  	[sflag:s19] =	ssyncset.done $0x0  }
0xdd: {  	s16 =	rddreg [dreg:$0x6];
	[sflag:s19] =	ssyncadd.s32 $0xFFFFC000  }
0xde: {  	[spmem:s16] =	stream.linear.scatter [tilespmem:s21], [sflag:$0x3], $0x1400, $0x38;
	v63 =	vld [tilespmem:$0x0]  }
0xdf: {  	_ =	swait.ge [sflag:s19], $0x1400  }
0xe0: {  	[sflag:s19] =	ssyncset.done $0x0  }
0xe1: {  	[sflag:s19] =	ssyncadd.s32 $0xFFFFEC00  }
.LBB2_13:
0xe2: {  	[bflag:$0x0] =	sbarrier.arrive $0xFFFF;
	s3 =	simm.s32 $0x0  }
0xe3: {  	[tilespmem:s21], [sflag:$0x1] =	stream.indirect.gather [hbm4b:s0+s22], $0x80, s3, s22, $0xb8;
	v63 =	vld [tilespmem:$0x0]  }
0xe4: {  	_ = 	snop  }
0xe5: {  	[tilespmem:s23], [sflag:$0x2] =	stream.indirect.gather [hbm4b:s0+s22], $0x80, s22, s22, $0xb8;
	v63 =	vld [tilespmem:$0x0]  }
0xe6: {  	_ =	swait.ge [sflag:s26], $0x4000  }
0xe7: {  	[sflag:s26] =	ssyncset.done $0x0  }
0xe8: {  	s16 =	simm.s32 $0x2800;
	[sflag:s26] =	ssyncadd.s32 $0xFFFFC000  }
0xe9: {  	[spmem:s2] =	stream.indirect.scatter.add.f32 [tilespmem:s21], [sflag:$0x3], $0x80, s16, s22, $0xb8;
	v63 =	vld [tilespmem:$0x0]  }
0xea: {  	_ =	swait.ge [sflag:s19], $0x4000  }
0xeb: {  	[sflag:s19] =	ssyncset.done $0x0  }
0xec: {  	s15 =	simm.s32 $0x100;
	[sflag:s19] =	ssyncadd.s32 $0xFFFFC000  }
0xed: {  	[tilespmem:s21], [sflag:$0x1] =	stream.indirect.gather [hbm4b:s0+s22], $0x80, s15, s22, $0xb8;
	v63 =	vld [tilespmem:$0x0]  }
0xee: {  	_ =	swait.ge [sflag:s28], $0x4000  }
0xef: {  	[sflag:s28] =	ssyncset.done $0x0  }
0xf0: {  	s16 =	simm.s32 $0x2880;
	[sflag:s28] =	ssyncadd.s32 $0xFFFFC000  }
0xf1: {  	[spmem:s2] =	stream.indirect.scatter.add.f32 [tilespmem:s23], [sflag:$0x3], $0x80, s16, s22, $0xb8;
	v63 =	vld [tilespmem:$0x0]  }
0xf2: {  	_ =	swait.ge [sflag:s19], $0x4000  }
0xf3: {  	[sflag:s19] =	ssyncset.done $0x0  }
0xf4: {  	s15 =	simm.s32 $0x400;
	s16 =	simm.s32 $0x180;
	[sflag:s19] =	ssyncadd.s32 $0xFFFFC000  }
.LBB2_14:
0xf5: {  	[tilespmem:s23], [sflag:$0x2] =	stream.indirect.gather [hbm4b:s0+s22], $0x80, s16, s22, $0xb8;
	v63 =	vld [tilespmem:$0x0]  }
0xf6: {  	s3 =	smov.u32 s15  }
0xf7: {  	p2 =	sne.s32 s15, $0x9800;
	s15 =	sadd.s32 $0x400, s15;
	_ =	swait.ge [sflag:s26], $0x4000  }
0xf8: {  	s3 =	sshra.s32 s3, $0x2;
	[sflag:s26] =	ssyncset.done $0x0  }
0xf9: {  	s16 =	sadd.s32 $0x2800, s3;
	[sflag:s26] =	ssyncadd.s32 $0xFFFFC000  }
0xfa: {  	[spmem:s2] =	stream.indirect.scatter.add.f32 [tilespmem:s21], [sflag:$0x3], $0x80, s16, s22, $0xb8;
	v63 =	vld [tilespmem:$0x0]  }
0xfb: {  	_ =	swait.ge [sflag:s19], $0x4000  }
0xfc: {  	[sflag:s19] =	ssyncset.done $0x0  }
0xfd: {  	s16 =	sadd.s32 $0x100, s3;
	[sflag:s19] =	ssyncadd.s32 $0xFFFFC000  }
0xfe: {  	[tilespmem:s21], [sflag:$0x1] =	stream.indirect.gather [hbm4b:s0+s22], $0x80, s16, s22, $0xb8;
	v63 =	vld [tilespmem:$0x0]  }
0xff: {  	_ =	swait.ge [sflag:s28], $0x4000  }
0x100: {  	[sflag:s28] =	ssyncset.done $0x0  }
.Ltmp6:
0x101: {  	s16 =	sadd.s32 $0x2880, s3;
	[sflag:s28] =	ssyncadd.s32 $0xFFFFC000;
	(pc) =	sbr.rel @p2 .LBB2_14-.Ltmp6, $4  }
0x102: {  	[spmem:s2] =	stream.indirect.scatter.add.f32 [tilespmem:s23], [sflag:$0x3], $0x80, s16, s22, $0xb8;
	v63 =	vld [tilespmem:$0x0]  }
0x103: {  	_ =	swait.ge [sflag:s19], $0x4000  }
0x104: {  	[sflag:s19] =	ssyncset.done $0x0  }
0x105: {  	s16 =	sadd.s32 $0x180, s3;
	[sflag:s19] =	ssyncadd.s32 $0xFFFFC000  }
0x106: {  	[tilespmem:s23], [sflag:$0x2] =	stream.indirect.gather [hbm4b:s0+s22], $0x80, s16, s22, $0xb8;
	v63 =	vld [tilespmem:$0x0]  }
0x107: {  	_ =	swait.ge [sflag:s26], $0x4000  }
0x108: {  	[sflag:s26] =	ssyncset.done $0x0  }
0x109: {  	[sflag:s26] =	ssyncadd.s32 $0xFFFFC000  }
0x10a: {  	[spmem:s2] =	stream.indirect.scatter.add.f32 [tilespmem:s21], [sflag:$0x3], $0x80, s29, s22, $0xb8;
	v63 =	vld [tilespmem:$0x0]  }
0x10b: {  	_ =	swait.ge [sflag:s19], $0x4000  }
0x10c: {  	[sflag:s19] =	ssyncset.done $0x0  }
0x10d: {  	[sflag:s19] =	ssyncadd.s32 $0xFFFFC000  }
0x10e: {  	_ =	swait.ge [sflag:s28], $0x4000  }
0x10f: {  	[sflag:s28] =	ssyncset.done $0x0  }
0x110: {  	[sflag:s28] =	ssyncadd.s32 $0xFFFFC000  }
0x111: {  	[spmem:s2] =	stream.indirect.scatter.add.f32 [tilespmem:s23], [sflag:$0x3], $0x80, s30, s22, $0xb8;
	v63 =	vld [tilespmem:$0x0]  }
0x112: {  	_ =	swait.ge [sflag:s19], $0x4000  }
0x113: {  	[sflag:s19] =	ssyncset.done $0x0  }
0x114: {  	s31 =	sadd.s32 $0x1, s31;
	[sflag:s19] =	ssyncadd.s32 $0xFFFFC000  }
0x115: {  	s3 =	sshrl.u32 @!p0 s2, $0x3;
	p2 =	sne.s32 s31, s18;
	[bflag:$0x0] =	sbarrier.arrive $0xFFFF  }
0x116: {  	[hbm:s17], [sflag:s1] =	dma.local @!p0 [spmem:s3], $0x1200  }
.Ltmp7:
0x117: {  	_ = 	snop;
	(pc) =	sbr.rel @p2 .LBB2_1-.Ltmp7, $4  }
0x118: {  	s1 =	simm.s32 @!p0 $0x3  }
0x119: {  	_ =	swait.ge @!p0 [sflag:s1], $0x1200  }
0x11a: {  	[sflag:s1] =	ssyncset.done @!p0 $0x0  }
0x11b: {  	[sflag:s1] =	ssyncadd.s32 @!p0 $0xFFFFEE00  }
0x11c: {  	_ =	sfence.sel $0x180000  }
0x11d: {  	[bflag:$0x0] =	sbarrier.arrive $0xFFFF  }
0x11e: {  	_ =	strace $0x90000047  }
0x11f: {  	[bflag:$0x2] =	sbarrier.arrive $0xFFFF  }
0x120: {  	s0 =	rddreg [dreg:$0x4]  }
0x121: {  	s0 =	sadd.s32 @!p0 $0x100000, s0  }
0x122: {  	[sflag:s0] =	ssyncadd.tile.s32 @!p0 $0x1;
	_ =	shalt  }
.Lfunc_end2:
_tile_overlayer_lowered:
.L_overlay_start_2:
0x123: {  	(tag) =	ssettag $0x2  }
0x124: {  	s0 =	rddreg [dreg:$0x0];
	s2 =	stileid.u32  }
0x125: {  	s1 =	rddreg [dreg:$0x1];
	p0 =	sne.s32 s2, $0x0  }
0x126: {  	s3 =	rddreg [dreg:$0x2];
	[bflag:$0x3] =	sbarrier.arrive $0xFFFF;
	s2 =	simm.s32 @!p0 $0x1C03  }
0x127: {  	[timem:s3], [sflag:s2] =	dma.local @!p0 [hbm:s0], s1  }
0x128: {  	s0 =	simm.s32 @!p0 $0x3  }
0x129: {  	_ =	swait.ge @!p0 [sflag:s0], s1  }
0x12a: {  	s1 =	ssub.s32 @!p0 $0x0, s1;
	[sflag:s0] =	ssyncset.done @!p0 $0x0  }
0x12b: {  	[sflag:s0] =	ssyncadd.s32 @!p0 s1  }
0x12c: {  	[bflag:$0x3] =	sbarrier.arrive $0xFFFF  }
0x12d: {  	_ =	shalt  }

</sc_bundles>
